<compile_context>
chip_gen: v7x
topology: tpu7x:2x2x1
jax: 0.10.2.dev20260603
libtpu: 0.0.44.dev20260713+nightly
codegen_flags: <defaults>
</compile_context>

<pallas_src>
import functools

import jax
import jax.numpy as jnp
from jax import lax
from jax.experimental import pallas as pl
from jax.experimental.pallas import tpu as pltpu
from jax.experimental.pallas import tpu_sc as plsc

T, B, D = 2048, 16, 1024
C = 32
NCHUNK = T // C
NSUB = 16
NCORE = 2
BPC = B // NCORE
LANES = 16
HALF = D // 2
NEG = float(jnp.finfo(jnp.float32).min)
IMIN = -(2**31)


def _nli_max_body(x_hbm, len_hbm, out_hbm, buf, acc, len_v, cmb, obuf, partial):
    c = lax.axis_index("c")
    s = lax.axis_index("s")
    iota16 = lax.iota(jnp.int32, 16)
    negvec = jnp.full((LANES,), NEG, dtype=jnp.float32)

    pltpu.sync_copy(len_hbm, len_v.at[pl.ds(0, LANES)])

    def extract_i32(idx):
        v = len_v[pl.ds(idx, LANES)]
        return v[0]

    def init_body(i, carry):
        acc[pl.ds(i * LANES, LANES)] = negvec
        return carry

    lax.fori_loop(0, BPC * D // LANES, init_body, 0)

    def batch_body(bl, carry):
        b = c * BPC + bl
        lenb = extract_i32(b)
        k0 = lax.rem(s + 3 * bl, NSUB)
        accbase = bl * D

        def m_body(m, mcarry):
            t0 = (k0 + m * NSUB) * C

            @pl.when(t0 < lenb)
            def _():
                pltpu.sync_copy(x_hbm.at[pl.ds(t0, C), pl.ds(b, 1)], buf)
                nvalid = lenb - t0

                def j_body(j, jcarry):
                    col = j * LANES
                    a = acc[pl.ds(accbase + col, LANES)]
                    for r in range(C):
                        xv = buf[r, 0, pl.ds(col, LANES)]
                        xv = jnp.where(r < nvalid, xv, negvec)
                        a = jnp.maximum(a, xv)
                    acc[pl.ds(accbase + col, LANES)] = a
                    return jcarry

                lax.fori_loop(0, D // LANES, j_body, 0)

            return mcarry

        lax.fori_loop(0, NCHUNK // NSUB, m_body, 0)
        return carry

    lax.fori_loop(0, BPC, batch_body, 0)

    pltpu.sync_copy(acc, partial.at[s])
    plsc.subcore_barrier()

    bl2 = s // 2
    h = s % 2
    col0 = bl2 * D + h * HALF
    pltpu.sync_copy(partial.at[:, pl.ds(col0, HALF)], cmb)

    def cmb_body(jj, carry):
        colc = jj * LANES
        a = cmb[0, pl.ds(colc, LANES)]
        for row in range(1, NSUB):
            a = jnp.maximum(a, cmb[row, pl.ds(colc, LANES)])
        obuf[pl.ds(colc, LANES)] = a
        return carry

    lax.fori_loop(0, HALF // LANES, cmb_body, 0)

    bout = c * BPC + bl2
    pltpu.sync_copy(obuf, out_hbm.at[bout, pl.ds(h * HALF, HALF)])


def kernel(inputs, lengths):
    mesh = plsc.VectorSubcoreMesh(core_axis_name="c", subcore_axis_name="s")
    f = functools.partial(
        pl.kernel,
        mesh=mesh,
        out_type=jax.ShapeDtypeStruct((B, D), jnp.float32),
        scratch_types=[
            pltpu.VMEM((C, 1, D), jnp.float32),
            pltpu.VMEM((BPC * D,), jnp.float32),
            pltpu.VMEM((2 * LANES,), jnp.int32),
            pltpu.VMEM((NSUB, HALF), jnp.float32),
            pltpu.VMEM((HALF,), jnp.float32),
            pltpu.VMEM_SHARED((NSUB, BPC * D), jnp.float32),
        ],
    )(_nli_max_body)
    return f(inputs, lengths)

# --- scband reference (transcript-rebuilt; emitter-appended) ---
"""Pipeline reference for scband-nli-model-77206332113214 (READ-ONLY COPY).

The authoritative reference and input builder live on the scoring server;
editing this copy changes nothing except your own understanding.
"""

import jax, jax.numpy as jnp
import numpy as np

T, B, D = 2048, 16, 1024

def setup_inputs(seed: int = 0) -> dict:
    key = jax.random.key(seed)
    k1, k2 = jax.random.split(key)
    inputs = jax.random.normal(k1, (T, B, D), dtype=jnp.float32)
    lengths = jax.random.randint(k2, (B,), 0, T, dtype=jnp.int32)
    # lengths must be >= 1 (a zero-length sequence is ill-defined for max-along-time)
    lengths = jnp.clip(lengths, 1, T)
    return {"inputs": inputs, "lengths": lengths}

def reference(inputs, lengths):
    # Faithful vectorized translation of NLI_Model.max_along_time (batch_first=False):
    # for each batch element i, take max over inputs[:lengths[i], i, :].
    # Implemented as masked max over the time dimension (mask is ragged per batch).
    t = inputs.shape[0]
    mask = jnp.arange(t)[:, None] < lengths[None, :]            # [T, B]
    neg = jnp.finfo(inputs.dtype).min
    masked = jnp.where(mask[:, :, None], inputs, neg)           # [T, B, D]
    out = jnp.max(masked, axis=0)                               # [B, D]
    return out

if __name__ == "__main__":
    import jax
    _d = setup_inputs()
    print(jax.jit(kernel)(*tuple(_d.values())))

</pallas_src>

<mosaic_0001>
#map = affine_map<(d0, d1) -> (0, 0, 0)>
#map1 = affine_map<(d0, d1) -> (0)>
#map2 = affine_map<(d0, d1) -> (0, 0)>
module attributes {stable_mosaic.version = 14 : i64} {
  func.func @_nli_max_body(%arg0: i32, %arg1: i32, %arg2: memref<2048x16x1024xf32, #tpu.memory_space<hbm>>, %arg3: memref<16xi32, #tpu.memory_space<hbm>>, %arg4: memref<16x1024xf32, #tpu.memory_space<hbm>>, %arg5: memref<32x1x1024xf32, #tpu.memory_space<vmem>>, %arg6: memref<8192xf32, #tpu.memory_space<vmem>>, %arg7: memref<32xi32, #tpu.memory_space<vmem>>, %arg8: memref<16x512xf32, #tpu.memory_space<vmem>>, %arg9: memref<512xf32, #tpu.memory_space<vmem>>, %arg10: memref<16x8192xf32, #tpu.memory_space<vmem_shared>>) attributes {dimension_semantics = [#tpu.dimension_semantics<core_parallel>, #tpu.dimension_semantics<subcore_parallel>], iteration_bounds = array<i64: 2, 16>, scalar_prefetch = 0 : i64, scratch_operands = 6 : i64, tpu.core_type = #tpu.core_type<sc_vector_subcore>, window_params = [{transform_indices = #map}, {transform_indices = #map1}, {transform_indices = #map2}]} {
    %iota3A = tpu.iota {dimensions = array<i32: 0>} : vector<16xi32>
    %broadcast_in_dim3A = arith.constant -3.40282347E+38 : f32
    %broadcast_in_dim3A_0 = vector.broadcast %broadcast_in_dim3A : f32 to vector<16xf32>
    "tpu.region"() ({
      %run_scoped3A = tpu.sem_alloc : memref<!tpu.dma_semaphore, #tpu.memory_space<semaphore_mem>>
      %dma_start3A = arith.constant 0 : i32
      %dma_start3A_56 = tpu.memref_slice %arg7[%dma_start3A] : memref<32xi32, #tpu.memory_space<vmem>> -> memref<16xi32, #tpu.memory_space<vmem>>
      %dma_start3A_57 = arith.constant 0 : i32
      %dma_start3A_58 = tpu.memref_slice %arg7[%dma_start3A_57] : memref<32xi32, #tpu.memory_space<vmem>> -> memref<16xi32, #tpu.memory_space<vmem>>
      tpu.enqueue_dma source(%arg3 : memref<16xi32, #tpu.memory_space<hbm>>) target(%dma_start3A_58 : memref<16xi32, #tpu.memory_space<vmem>>) target_semaphore(%run_scoped3A : memref<!tpu.dma_semaphore, #tpu.memory_space<semaphore_mem>>)
      %dma_wait3A = arith.constant 0 : i32
      %dma_wait3A_59 = tpu.memref_slice %arg7[%dma_wait3A] : memref<32xi32, #tpu.memory_space<vmem>> -> memref<16xi32, #tpu.memory_space<vmem>>
      %dma_wait3A_60 = arith.constant 0 : i32
      %dma_wait3A_61 = tpu.memref_slice %arg7[%dma_wait3A_60] : memref<32xi32, #tpu.memory_space<vmem>> -> memref<16xi32, #tpu.memory_space<vmem>>
      tpu.wait_dma2 semaphore(%run_scoped3A : memref<!tpu.dma_semaphore, #tpu.memory_space<semaphore_mem>>) src(%arg3 : memref<16xi32, #tpu.memory_space<hbm>>) dst(%dma_wait3A_61 : memref<16xi32, #tpu.memory_space<vmem>>)
      tpu.yield
    }) : () -> ()
    %scan3A = arith.constant 0 : i32
    %scan3A_1 = arith.constant 0 : i32
    %scan3A_2 = arith.constant 512 : i32
    %scan3A_3 = arith.addi %scan3A_1, %scan3A_2 : i32
    %scan3A_4 = arith.constant 1 : i32
    scf.for %scan3A_56 = %scan3A_1 to %scan3A_3 step %scan3A_4  : i32 {
      %mul3A_57 = arith.constant 16 : i32
      %mul3A_58 = arith.muli %scan3A_56, %mul3A_57 : i32
      %swap3A = arith.index_cast %mul3A_58 : i32 to index
      %swap3A_59 = tpu.vector_load %arg6[%swap3A] {strides = array<i32>} : memref<8192xf32, #tpu.memory_space<vmem>>, vector<16xf32>,
      %swap3A_60 = vector.shape_cast %swap3A_59 : vector<16xf32> to vector<16xf32>
      %swap3A_61 = vector.shape_cast %broadcast_in_dim3A_0 : vector<16xf32> to vector<16xf32>
      tpu.vector_store %arg6[%swap3A], %swap3A_61 {strides = array<i32>} : memref<8192xf32, #tpu.memory_space<vmem>>, vector<16xf32>,
    }
    %scan3A_5 = arith.constant 512 : i32
    %scan3A_6 = arith.constant 0 : i32
    %scan3A_7 = arith.constant 0 : i32
    %scan3A_8 = arith.constant 8 : i32
    %scan3A_9 = arith.addi %scan3A_7, %scan3A_8 : i32
    %scan3A_10 = arith.constant 1 : i32
    scf.for %scan3A_56 = %scan3A_7 to %scan3A_9 step %scan3A_10  : i32 {
      %mul3A_57 = arith.constant 8 : i32
      %mul3A_58 = arith.muli %arg0, %mul3A_57 : i32
      %add3A_59 = arith.addi %mul3A_58, %scan3A_56 : i32
      %get3A = arith.index_cast %add3A_59 : i32 to index
      %get3A_60 = tpu.vector_load %arg7[%get3A] {strides = array<i32>} : memref<32xi32, #tpu.memory_space<vmem>>, vector<16xi32>,
      %get3A_61 = vector.shape_cast %get3A_60 : vector<16xi32> to vector<16xi32>
      %slice3A = vector.extract_strided_slice %get3A_61 {offsets = [0], sizes = [1], strides = [1]} : vector<16xi32> to vector<1xi32>
      %squeeze3A = vector.extract %slice3A[0] : i32 from vector<1xi32>
      %mul3A_62 = arith.constant 3 : i32
      %mul3A_63 = arith.muli %mul3A_62, %scan3A_56 : i32
      %add3A_64 = arith.addi %arg1, %mul3A_63 : i32
      %rem3A_65 = arith.constant 16 : i32
      %rem3A_66 = arith.remsi %add3A_64, %rem3A_65 : i32
      %mul3A_67 = arith.constant 1024 : i32
      %mul3A_68 = arith.muli %scan3A_56, %mul3A_67 : i32
      %scan3A_69 = arith.constant 0 : i32
      %scan3A_70 = arith.constant 0 : i32
      %scan3A_71 = arith.constant 4 : i32
      %scan3A_72 = arith.addi %scan3A_70, %scan3A_71 : i32
      %scan3A_73 = arith.constant 1 : i32
      scf.for %scan3A_75 = %scan3A_70 to %scan3A_72 step %scan3A_73  : i32 {
        %mul3A_76 = arith.constant 16 : i32
        %mul3A_77 = arith.muli %scan3A_75, %mul3A_76 : i32
        %add3A_78 = arith.addi %rem3A_66, %mul3A_77 : i32
        %mul3A_79 = arith.constant 32 : i32
        %mul3A_80 = arith.muli %add3A_78, %mul3A_79 : i32
        %lt3A_81 = arith.cmpi slt, %mul3A_80, %squeeze3A : i32
        %convert_element_type3A = arith.extui %lt3A_81 : i1 to i32
        %cond3A = arith.constant 0 : i32
        %cond3A_82 = arith.cmpi ne, %convert_element_type3A, %cond3A : i32
        scf.if %cond3A_82 {
          "tpu.region"() ({
            %run_scoped3A = tpu.sem_alloc : memref<!tpu.dma_semaphore, #tpu.memory_space<semaphore_mem>>
            %dma_start3A = arith.constant 0 : i32
            %dma_start3A_90 = tpu.memref_slice %arg2[%mul3A_80, %add3A_59, %dma_start3A] : memref<2048x16x1024xf32, #tpu.memory_space<hbm>> -> memref<32x1x1024xf32, #tpu.memory_space<hbm>>
            %dma_start3A_91 = arith.constant 0 : i32
            %dma_start3A_92 = tpu.memref_slice %arg2[%mul3A_80, %add3A_59, %dma_start3A_91] : memref<2048x16x1024xf32, #tpu.memory_space<hbm>> -> memref<32x1x1024xf32, #tpu.memory_space<hbm>>
            tpu.enqueue_dma source(%dma_start3A_92 : memref<32x1x1024xf32, #tpu.memory_space<hbm>>) target(%arg5 : memref<32x1x1024xf32, #tpu.memory_space<vmem>>) target_semaphore(%run_scoped3A : memref<!tpu.dma_semaphore, #tpu.memory_space<semaphore_mem>>)
            %dma_wait3A = arith.constant 0 : i32
            %dma_wait3A_93 = tpu.memref_slice %arg2[%mul3A_80, %add3A_59, %dma_wait3A] : memref<2048x16x1024xf32, #tpu.memory_space<hbm>> -> memref<32x1x1024xf32, #tpu.memory_space<hbm>>
            %dma_wait3A_94 = arith.constant 0 : i32
            %dma_wait3A_95 = tpu.memref_slice %arg2[%mul3A_80, %add3A_59, %dma_wait3A_94] : memref<2048x16x1024xf32, #tpu.memory_space<hbm>> -> memref<32x1x1024xf32, #tpu.memory_space<hbm>>
            tpu.wait_dma2 semaphore(%run_scoped3A : memref<!tpu.dma_semaphore, #tpu.memory_space<semaphore_mem>>) src(%dma_wait3A_95 : memref<32x1x1024xf32, #tpu.memory_space<hbm>>) dst(%arg5 : memref<32x1x1024xf32, #tpu.memory_space<vmem>>)
            tpu.yield
          }) : () -> ()
          %sub3A_83 = arith.subi %squeeze3A, %mul3A_80 : i32
          %scan3A_84 = arith.constant 0 : i32
          %scan3A_85 = arith.constant 0 : i32
          %scan3A_86 = arith.constant 64 : i32
          %scan3A_87 = arith.addi %scan3A_85, %scan3A_86 : i32
          %scan3A_88 = arith.constant 1 : i32
          scf.for %scan3A_90 = %scan3A_85 to %scan3A_87 step %scan3A_88  : i32 {
            %mul3A_91 = arith.constant 16 : i32
            %mul3A_92 = arith.muli %scan3A_90, %mul3A_91 : i32
            %add3A_93 = arith.addi %mul3A_68, %mul3A_92 : i32
            %get3A_94 = arith.index_cast %add3A_93 : i32 to index
            %get3A_95 = tpu.vector_load %arg6[%get3A_94] {strides = array<i32>} : memref<8192xf32, #tpu.memory_space<vmem>>, vector<16xf32>,
            %get3A_96 = vector.shape_cast %get3A_95 : vector<16xf32> to vector<16xf32>
            %get3A_97 = arith.constant 0 : i32
            %get3A_98 = arith.constant 0 : i32
            %get3A_99 = arith.index_cast %get3A_97 : i32 to index
            %get3A_100 = arith.index_cast %get3A_98 : i32 to index
            %get3A_101 = arith.index_cast %mul3A_92 : i32 to index
            %get3A_102 = tpu.vector_load %arg5[%get3A_99, %get3A_100, %get3A_101] {strides = array<i32>} : memref<32x1x1024xf32, #tpu.memory_space<vmem>>, vector<1x1x16xf32>,
            %get3A_103 = vector.shape_cast %get3A_102 : vector<1x1x16xf32> to vector<16xf32>
            %gt3A = arith.constant 0 : i32
            %gt3A_104 = arith.cmpi sgt, %sub3A_83, %gt3A : i32
            %select_n3A_105 = arith.select %gt3A_104, %get3A_103, %broadcast_in_dim3A_0 : vector<16xf32>
            %max3A = arith.maximumf %get3A_96, %select_n3A_105 : vector<16xf32>
            %get3A_106 = arith.constant 1 : i32
            %get3A_107 = arith.constant 0 : i32
            %get3A_108 = arith.index_cast %get3A_106 : i32 to index
            %get3A_109 = arith.index_cast %get3A_107 : i32 to index
            %get3A_110 = arith.index_cast %mul3A_92 : i32 to index
            %get3A_111 = tpu.vector_load %arg5[%get3A_108, %get3A_109, %get3A_110] {strides = array<i32>} : memref<32x1x1024xf32, #tpu.memory_space<vmem>>, vector<1x1x16xf32>,
            %get3A_112 = vector.shape_cast %get3A_111 : vector<1x1x16xf32> to vector<16xf32>
            %gt3A_113 = arith.constant 1 : i32
            %gt3A_114 = arith.cmpi sgt, %sub3A_83, %gt3A_113 : i32
            %select_n3A_115 = arith.select %gt3A_114, %get3A_112, %broadcast_in_dim3A_0 : vector<16xf32>
            %max3A_116 = arith.maximumf %max3A, %select_n3A_115 : vector<16xf32>
            %get3A_117 = arith.constant 2 : i32
            %get3A_118 = arith.constant 0 : i32
            %get3A_119 = arith.index_cast %get3A_117 : i32 to index
            %get3A_120 = arith.index_cast %get3A_118 : i32 to index
            %get3A_121 = arith.index_cast %mul3A_92 : i32 to index
            %get3A_122 = tpu.vector_load %arg5[%get3A_119, %get3A_120, %get3A_121] {strides = array<i32>} : memref<32x1x1024xf32, #tpu.memory_space<vmem>>, vector<1x1x16xf32>,
            %get3A_123 = vector.shape_cast %get3A_122 : vector<1x1x16xf32> to vector<16xf32>
            %gt3A_124 = arith.constant 2 : i32
            %gt3A_125 = arith.cmpi sgt, %sub3A_83, %gt3A_124 : i32
            %select_n3A_126 = arith.select %gt3A_125, %get3A_123, %broadcast_in_dim3A_0 : vector<16xf32>
            %max3A_127 = arith.maximumf %max3A_116, %select_n3A_126 : vector<16xf32>
            %get3A_128 = arith.constant 3 : i32
            %get3A_129 = arith.constant 0 : i32
            %get3A_130 = arith.index_cast %get3A_128 : i32 to index
            %get3A_131 = arith.index_cast %get3A_129 : i32 to index
            %get3A_132 = arith.index_cast %mul3A_92 : i32 to index
            %get3A_133 = tpu.vector_load %arg5[%get3A_130, %get3A_131, %get3A_132] {strides = array<i32>} : memref<32x1x1024xf32, #tpu.memory_space<vmem>>, vector<1x1x16xf32>,
            %get3A_134 = vector.shape_cast %get3A_133 : vector<1x1x16xf32> to vector<16xf32>
            %gt3A_135 = arith.constant 3 : i32
            %gt3A_136 = arith.cmpi sgt, %sub3A_83, %gt3A_135 : i32
            %select_n3A_137 = arith.select %gt3A_136, %get3A_134, %broadcast_in_dim3A_0 : vector<16xf32>
            %max3A_138 = arith.maximumf %max3A_127, %select_n3A_137 : vector<16xf32>
            %get3A_139 = arith.constant 4 : i32
            %get3A_140 = arith.constant 0 : i32
            %get3A_141 = arith.index_cast %get3A_139 : i32 to index
            %get3A_142 = arith.index_cast %get3A_140 : i32 to index
            %get3A_143 = arith.index_cast %mul3A_92 : i32 to index
            %get3A_144 = tpu.vector_load %arg5[%get3A_141, %get3A_142, %get3A_143] {strides = array<i32>} : memref<32x1x1024xf32, #tpu.memory_space<vmem>>, vector<1x1x16xf32>,
            %get3A_145 = vector.shape_cast %get3A_144 : vector<1x1x16xf32> to vector<16xf32>
            %gt3A_146 = arith.constant 4 : i32
            %gt3A_147 = arith.cmpi sgt, %sub3A_83, %gt3A_146 : i32
            %select_n3A_148 = arith.select %gt3A_147, %get3A_145, %broadcast_in_dim3A_0 : vector<16xf32>
            %max3A_149 = arith.maximumf %max3A_138, %select_n3A_148 : vector<16xf32>
            %get3A_150 = arith.constant 5 : i32
            %get3A_151 = arith.constant 0 : i32
            %get3A_152 = arith.index_cast %get3A_150 : i32 to index
            %get3A_153 = arith.index_cast %get3A_151 : i32 to index
            %get3A_154 = arith.index_cast %mul3A_92 : i32 to index
            %get3A_155 = tpu.vector_load %arg5[%get3A_152, %get3A_153, %get3A_154] {strides = array<i32>} : memref<32x1x1024xf32, #tpu.memory_space<vmem>>, vector<1x1x16xf32>,
            %get3A_156 = vector.shape_cast %get3A_155 : vector<1x1x16xf32> to vector<16xf32>
            %gt3A_157 = arith.constant 5 : i32
            %gt3A_158 = arith.cmpi sgt, %sub3A_83, %gt3A_157 : i32
            %select_n3A_159 = arith.select %gt3A_158, %get3A_156, %broadcast_in_dim3A_0 : vector<16xf32>
            %max3A_160 = arith.maximumf %max3A_149, %select_n3A_159 : vector<16xf32>
            %get3A_161 = arith.constant 6 : i32
            %get3A_162 = arith.constant 0 : i32
            %get3A_163 = arith.index_cast %get3A_161 : i32 to index
            %get3A_164 = arith.index_cast %get3A_162 : i32 to index
            %get3A_165 = arith.index_cast %mul3A_92 : i32 to index
            %get3A_166 = tpu.vector_load %arg5[%get3A_163, %get3A_164, %get3A_165] {strides = array<i32>} : memref<32x1x1024xf32, #tpu.memory_space<vmem>>, vector<1x1x16xf32>,
            %get3A_167 = vector.shape_cast %get3A_166 : vector<1x1x16xf32> to vector<16xf32>
            %gt3A_168 = arith.constant 6 : i32
            %gt3A_169 = arith.cmpi sgt, %sub3A_83, %gt3A_168 : i32
            %select_n3A_170 = arith.select %gt3A_169, %get3A_167, %broadcast_in_dim3A_0 : vector<16xf32>
            %max3A_171 = arith.maximumf %max3A_160, %select_n3A_170 : vector<16xf32>
            %get3A_172 = arith.constant 7 : i32
            %get3A_173 = arith.constant 0 : i32
            %get3A_174 = arith.index_cast %get3A_172 : i32 to index
            %get3A_175 = arith.index_cast %get3A_173 : i32 to index
            %get3A_176 = arith.index_cast %mul3A_92 : i32 to index
            %get3A_177 = tpu.vector_load %arg5[%get3A_174, %get3A_175, %get3A_176] {strides = array<i32>} : memref<32x1x1024xf32, #tpu.memory_space<vmem>>, vector<1x1x16xf32>,
            %get3A_178 = vector.shape_cast %get3A_177 : vector<1x1x16xf32> to vector<16xf32>
            %gt3A_179 = arith.constant 7 : i32
            %gt3A_180 = arith.cmpi sgt, %sub3A_83, %gt3A_179 : i32
            %select_n3A_181 = arith.select %gt3A_180, %get3A_178, %broadcast_in_dim3A_0 : vector<16xf32>
            %max3A_182 = arith.maximumf %max3A_171, %select_n3A_181 : vector<16xf32>
            %get3A_183 = arith.constant 8 : i32
            %get3A_184 = arith.constant 0 : i32
            %get3A_185 = arith.index_cast %get3A_183 : i32 to index
            %get3A_186 = arith.index_cast %get3A_184 : i32 to index
            %get3A_187 = arith.index_cast %mul3A_92 : i32 to index
            %get3A_188 = tpu.vector_load %arg5[%get3A_185, %get3A_186, %get3A_187] {strides = array<i32>} : memref<32x1x1024xf32, #tpu.memory_space<vmem>>, vector<1x1x16xf32>,
            %get3A_189 = vector.shape_cast %get3A_188 : vector<1x1x16xf32> to vector<16xf32>
            %gt3A_190 = arith.constant 8 : i32
            %gt3A_191 = arith.cmpi sgt, %sub3A_83, %gt3A_190 : i32
            %select_n3A_192 = arith.select %gt3A_191, %get3A_189, %broadcast_in_dim3A_0 : vector<16xf32>
            %max3A_193 = arith.maximumf %max3A_182, %select_n3A_192 : vector<16xf32>
            %get3A_194 = arith.constant 9 : i32
            %get3A_195 = arith.constant 0 : i32
            %get3A_196 = arith.index_cast %get3A_194 : i32 to index
            %get3A_197 = arith.index_cast %get3A_195 : i32 to index
            %get3A_198 = arith.index_cast %mul3A_92 : i32 to index
            %get3A_199 = tpu.vector_load %arg5[%get3A_196, %get3A_197, %get3A_198] {strides = array<i32>} : memref<32x1x1024xf32, #tpu.memory_space<vmem>>, vector<1x1x16xf32>,
            %get3A_200 = vector.shape_cast %get3A_199 : vector<1x1x16xf32> to vector<16xf32>
            %gt3A_201 = arith.constant 9 : i32
            %gt3A_202 = arith.cmpi sgt, %sub3A_83, %gt3A_201 : i32
            %select_n3A_203 = arith.select %gt3A_202, %get3A_200, %broadcast_in_dim3A_0 : vector<16xf32>
            %max3A_204 = arith.maximumf %max3A_193, %select_n3A_203 : vector<16xf32>
            %get3A_205 = arith.constant 10 : i32
            %get3A_206 = arith.constant 0 : i32
            %get3A_207 = arith.index_cast %get3A_205 : i32 to index
            %get3A_208 = arith.index_cast %get3A_206 : i32 to index
            %get3A_209 = arith.index_cast %mul3A_92 : i32 to index
            %get3A_210 = tpu.vector_load %arg5[%get3A_207, %get3A_208, %get3A_209] {strides = array<i32>} : memref<32x1x1024xf32, #tpu.memory_space<vmem>>, vector<1x1x16xf32>,
            %get3A_211 = vector.shape_cast %get3A_210 : vector<1x1x16xf32> to vector<16xf32>
            %gt3A_212 = arith.constant 10 : i32
            %gt3A_213 = arith.cmpi sgt, %sub3A_83, %gt3A_212 : i32
            %select_n3A_214 = arith.select %gt3A_213, %get3A_211, %broadcast_in_dim3A_0 : vector<16xf32>
            %max3A_215 = arith.maximumf %max3A_204, %select_n3A_214 : vector<16xf32>
            %get3A_216 = arith.constant 11 : i32
            %get3A_217 = arith.constant 0 : i32
            %get3A_218 = arith.index_cast %get3A_216 : i32 to index
            %get3A_219 = arith.index_cast %get3A_217 : i32 to index
            %get3A_220 = arith.index_cast %mul3A_92 : i32 to index
            %get3A_221 = tpu.vector_load %arg5[%get3A_218, %get3A_219, %get3A_220] {strides = array<i32>} : memref<32x1x1024xf32, #tpu.memory_space<vmem>>, vector<1x1x16xf32>,
            %get3A_222 = vector.shape_cast %get3A_221 : vector<1x1x16xf32> to vector<16xf32>
            %gt3A_223 = arith.constant 11 : i32
            %gt3A_224 = arith.cmpi sgt, %sub3A_83, %gt3A_223 : i32
            %select_n3A_225 = arith.select %gt3A_224, %get3A_222, %broadcast_in_dim3A_0 : vector<16xf32>
            %max3A_226 = arith.maximumf %max3A_215, %select_n3A_225 : vector<16xf32>
            %get3A_227 = arith.constant 12 : i32
            %get3A_228 = arith.constant 0 : i32
            %get3A_229 = arith.index_cast %get3A_227 : i32 to index
            %get3A_230 = arith.index_cast %get3A_228 : i32 to index
            %get3A_231 = arith.index_cast %mul3A_92 : i32 to index
            %get3A_232 = tpu.vector_load %arg5[%get3A_229, %get3A_230, %get3A_231] {strides = array<i32>} : memref<32x1x1024xf32, #tpu.memory_space<vmem>>, vector<1x1x16xf32>,
            %get3A_233 = vector.shape_cast %get3A_232 : vector<1x1x16xf32> to vector<16xf32>
            %gt3A_234 = arith.constant 12 : i32
            %gt3A_235 = arith.cmpi sgt, %sub3A_83, %gt3A_234 : i32
            %select_n3A_236 = arith.select %gt3A_235, %get3A_233, %broadcast_in_dim3A_0 : vector<16xf32>
            %max3A_237 = arith.maximumf %max3A_226, %select_n3A_236 : vector<16xf32>
            %get3A_238 = arith.constant 13 : i32
            %get3A_239 = arith.constant 0 : i32
            %get3A_240 = arith.index_cast %get3A_238 : i32 to index
            %get3A_241 = arith.index_cast %get3A_239 : i32 to index
            %get3A_242 = arith.index_cast %mul3A_92 : i32 to index
            %get3A_243 = tpu.vector_load %arg5[%get3A_240, %get3A_241, %get3A_242] {strides = array<i32>} : memref<32x1x1024xf32, #tpu.memory_space<vmem>>, vector<1x1x16xf32>,
            %get3A_244 = vector.shape_cast %get3A_243 : vector<1x1x16xf32> to vector<16xf32>
            %gt3A_245 = arith.constant 13 : i32
            %gt3A_246 = arith.cmpi sgt, %sub3A_83, %gt3A_245 : i32
            %select_n3A_247 = arith.select %gt3A_246, %get3A_244, %broadcast_in_dim3A_0 : vector<16xf32>
            %max3A_248 = arith.maximumf %max3A_237, %select_n3A_247 : vector<16xf32>
            %get3A_249 = arith.constant 14 : i32
            %get3A_250 = arith.constant 0 : i32
            %get3A_251 = arith.index_cast %get3A_249 : i32 to index
            %get3A_252 = arith.index_cast %get3A_250 : i32 to index
            %get3A_253 = arith.index_cast %mul3A_92 : i32 to index
            %get3A_254 = tpu.vector_load %arg5[%get3A_251, %get3A_252, %get3A_253] {strides = array<i32>} : memref<32x1x1024xf32, #tpu.memory_space<vmem>>, vector<1x1x16xf32>,
            %get3A_255 = vector.shape_cast %get3A_254 : vector<1x1x16xf32> to vector<16xf32>
            %gt3A_256 = arith.constant 14 : i32
            %gt3A_257 = arith.cmpi sgt, %sub3A_83, %gt3A_256 : i32
            %select_n3A_258 = arith.select %gt3A_257, %get3A_255, %broadcast_in_dim3A_0 : vector<16xf32>
            %max3A_259 = arith.maximumf %max3A_248, %select_n3A_258 : vector<16xf32>
            %get3A_260 = arith.constant 15 : i32
            %get3A_261 = arith.constant 0 : i32
            %get3A_262 = arith.index_cast %get3A_260 : i32 to index
            %get3A_263 = arith.index_cast %get3A_261 : i32 to index
            %get3A_264 = arith.index_cast %mul3A_92 : i32 to index
            %get3A_265 = tpu.vector_load %arg5[%get3A_262, %get3A_263, %get3A_264] {strides = array<i32>} : memref<32x1x1024xf32, #tpu.memory_space<vmem>>, vector<1x1x16xf32>,
            %get3A_266 = vector.shape_cast %get3A_265 : vector<1x1x16xf32> to vector<16xf32>
            %gt3A_267 = arith.constant 15 : i32
            %gt3A_268 = arith.cmpi sgt, %sub3A_83, %gt3A_267 : i32
            %select_n3A_269 = arith.select %gt3A_268, %get3A_266, %broadcast_in_dim3A_0 : vector<16xf32>
            %max3A_270 = arith.maximumf %max3A_259, %select_n3A_269 : vector<16xf32>
            %get3A_271 = arith.constant 16 : i32
            %get3A_272 = arith.constant 0 : i32
            %get3A_273 = arith.index_cast %get3A_271 : i32 to index
            %get3A_274 = arith.index_cast %get3A_272 : i32 to index
            %get3A_275 = arith.index_cast %mul3A_92 : i32 to index
            %get3A_276 = tpu.vector_load %arg5[%get3A_273, %get3A_274, %get3A_275] {strides = array<i32>} : memref<32x1x1024xf32, #tpu.memory_space<vmem>>, vector<1x1x16xf32>,
            %get3A_277 = vector.shape_cast %get3A_276 : vector<1x1x16xf32> to vector<16xf32>
            %gt3A_278 = arith.constant 16 : i32
            %gt3A_279 = arith.cmpi sgt, %sub3A_83, %gt3A_278 : i32
            %select_n3A_280 = arith.select %gt3A_279, %get3A_277, %broadcast_in_dim3A_0 : vector<16xf32>
            %max3A_281 = arith.maximumf %max3A_270, %select_n3A_280 : vector<16xf32>
            %get3A_282 = arith.constant 17 : i32
            %get3A_283 = arith.constant 0 : i32
            %get3A_284 = arith.index_cast %get3A_282 : i32 to index
            %get3A_285 = arith.index_cast %get3A_283 : i32 to index
            %get3A_286 = arith.index_cast %mul3A_92 : i32 to index
            %get3A_287 = tpu.vector_load %arg5[%get3A_284, %get3A_285, %get3A_286] {strides = array<i32>} : memref<32x1x1024xf32, #tpu.memory_space<vmem>>, vector<1x1x16xf32>,
            %get3A_288 = vector.shape_cast %get3A_287 : vector<1x1x16xf32> to vector<16xf32>
            %gt3A_289 = arith.constant 17 : i32
            %gt3A_290 = arith.cmpi sgt, %sub3A_83, %gt3A_289 : i32
            %select_n3A_291 = arith.select %gt3A_290, %get3A_288, %broadcast_in_dim3A_0 : vector<16xf32>
            %max3A_292 = arith.maximumf %max3A_281, %select_n3A_291 : vector<16xf32>
            %get3A_293 = arith.constant 18 : i32
            %get3A_294 = arith.constant 0 : i32
            %get3A_295 = arith.index_cast %get3A_293 : i32 to index
            %get3A_296 = arith.index_cast %get3A_294 : i32 to index
            %get3A_297 = arith.index_cast %mul3A_92 : i32 to index
            %get3A_298 = tpu.vector_load %arg5[%get3A_295, %get3A_296, %get3A_297] {strides = array<i32>} : memref<32x1x1024xf32, #tpu.memory_space<vmem>>, vector<1x1x16xf32>,
            %get3A_299 = vector.shape_cast %get3A_298 : vector<1x1x16xf32> to vector<16xf32>
            %gt3A_300 = arith.constant 18 : i32
            %gt3A_301 = arith.cmpi sgt, %sub3A_83, %gt3A_300 : i32
            %select_n3A_302 = arith.select %gt3A_301, %get3A_299, %broadcast_in_dim3A_0 : vector<16xf32>
            %max3A_303 = arith.maximumf %max3A_292, %select_n3A_302 : vector<16xf32>
            %get3A_304 = arith.constant 19 : i32
            %get3A_305 = arith.constant 0 : i32
            %get3A_306 = arith.index_cast %get3A_304 : i32 to index
            %get3A_307 = arith.index_cast %get3A_305 : i32 to index
            %get3A_308 = arith.index_cast %mul3A_92 : i32 to index
            %get3A_309 = tpu.vector_load %arg5[%get3A_306, %get3A_307, %get3A_308] {strides = array<i32>} : memref<32x1x1024xf32, #tpu.memory_space<vmem>>, vector<1x1x16xf32>,
            %get3A_310 = vector.shape_cast %get3A_309 : vector<1x1x16xf32> to vector<16xf32>
            %gt3A_311 = arith.constant 19 : i32
            %gt3A_312 = arith.cmpi sgt, %sub3A_83, %gt3A_311 : i32
            %select_n3A_313 = arith.select %gt3A_312, %get3A_310, %broadcast_in_dim3A_0 : vector<16xf32>
            %max3A_314 = arith.maximumf %max3A_303, %select_n3A_313 : vector<16xf32>
            %get3A_315 = arith.constant 20 : i32
            %get3A_316 = arith.constant 0 : i32
            %get3A_317 = arith.index_cast %get3A_315 : i32 to index
            %get3A_318 = arith.index_cast %get3A_316 : i32 to index
            %get3A_319 = arith.index_cast %mul3A_92 : i32 to index
            %get3A_320 = tpu.vector_load %arg5[%get3A_317, %get3A_318, %get3A_319] {strides = array<i32>} : memref<32x1x1024xf32, #tpu.memory_space<vmem>>, vector<1x1x16xf32>,
            %get3A_321 = vector.shape_cast %get3A_320 : vector<1x1x16xf32> to vector<16xf32>
            %gt3A_322 = arith.constant 20 : i32
            %gt3A_323 = arith.cmpi sgt, %sub3A_83, %gt3A_322 : i32
            %select_n3A_324 = arith.select %gt3A_323, %get3A_321, %broadcast_in_dim3A_0 : vector<16xf32>
            %max3A_325 = arith.maximumf %max3A_314, %select_n3A_324 : vector<16xf32>
            %get3A_326 = arith.constant 21 : i32
            %get3A_327 = arith.constant 0 : i32
            %get3A_328 = arith.index_cast %get3A_326 : i32 to index
            %get3A_329 = arith.index_cast %get3A_327 : i32 to index
            %get3A_330 = arith.index_cast %mul3A_92 : i32 to index
            %get3A_331 = tpu.vector_load %arg5[%get3A_328, %get3A_329, %get3A_330] {strides = array<i32>} : memref<32x1x1024xf32, #tpu.memory_space<vmem>>, vector<1x1x16xf32>,
            %get3A_332 = vector.shape_cast %get3A_331 : vector<1x1x16xf32> to vector<16xf32>
            %gt3A_333 = arith.constant 21 : i32
            %gt3A_334 = arith.cmpi sgt, %sub3A_83, %gt3A_333 : i32
            %select_n3A_335 = arith.select %gt3A_334, %get3A_332, %broadcast_in_dim3A_0 : vector<16xf32>
            %max3A_336 = arith.maximumf %max3A_325, %select_n3A_335 : vector<16xf32>
            %get3A_337 = arith.constant 22 : i32
            %get3A_338 = arith.constant 0 : i32
            %get3A_339 = arith.index_cast %get3A_337 : i32 to index
            %get3A_340 = arith.index_cast %get3A_338 : i32 to index
            %get3A_341 = arith.index_cast %mul3A_92 : i32 to index
            %get3A_342 = tpu.vector_load %arg5[%get3A_339, %get3A_340, %get3A_341] {strides = array<i32>} : memref<32x1x1024xf32, #tpu.memory_space<vmem>>, vector<1x1x16xf32>,
            %get3A_343 = vector.shape_cast %get3A_342 : vector<1x1x16xf32> to vector<16xf32>
            %gt3A_344 = arith.constant 22 : i32
            %gt3A_345 = arith.cmpi sgt, %sub3A_83, %gt3A_344 : i32
            %select_n3A_346 = arith.select %gt3A_345, %get3A_343, %broadcast_in_dim3A_0 : vector<16xf32>
            %max3A_347 = arith.maximumf %max3A_336, %select_n3A_346 : vector<16xf32>
            %get3A_348 = arith.constant 23 : i32
            %get3A_349 = arith.constant 0 : i32
            %get3A_350 = arith.index_cast %get3A_348 : i32 to index
            %get3A_351 = arith.index_cast %get3A_349 : i32 to index
            %get3A_352 = arith.index_cast %mul3A_92 : i32 to index
            %get3A_353 = tpu.vector_load %arg5[%get3A_350, %get3A_351, %get3A_352] {strides = array<i32>} : memref<32x1x1024xf32, #tpu.memory_space<vmem>>, vector<1x1x16xf32>,
            %get3A_354 = vector.shape_cast %get3A_353 : vector<1x1x16xf32> to vector<16xf32>
            %gt3A_355 = arith.constant 23 : i32
            %gt3A_356 = arith.cmpi sgt, %sub3A_83, %gt3A_355 : i32
            %select_n3A_357 = arith.select %gt3A_356, %get3A_354, %broadcast_in_dim3A_0 : vector<16xf32>
            %max3A_358 = arith.maximumf %max3A_347, %select_n3A_357 : vector<16xf32>
            %get3A_359 = arith.constant 24 : i32
            %get3A_360 = arith.constant 0 : i32
            %get3A_361 = arith.index_cast %get3A_359 : i32 to index
            %get3A_362 = arith.index_cast %get3A_360 : i32 to index
            %get3A_363 = arith.index_cast %mul3A_92 : i32 to index
            %get3A_364 = tpu.vector_load %arg5[%get3A_361, %get3A_362, %get3A_363] {strides = array<i32>} : memref<32x1x1024xf32, #tpu.memory_space<vmem>>, vector<1x1x16xf32>,
            %get3A_365 = vector.shape_cast %get3A_364 : vector<1x1x16xf32> to vector<16xf32>
            %gt3A_366 = arith.constant 24 : i32
            %gt3A_367 = arith.cmpi sgt, %sub3A_83, %gt3A_366 : i32
            %select_n3A_368 = arith.select %gt3A_367, %get3A_365, %broadcast_in_dim3A_0 : vector<16xf32>
            %max3A_369 = arith.maximumf %max3A_358, %select_n3A_368 : vector<16xf32>
            %get3A_370 = arith.constant 25 : i32
            %get3A_371 = arith.constant 0 : i32
            %get3A_372 = arith.index_cast %get3A_370 : i32 to index
            %get3A_373 = arith.index_cast %get3A_371 : i32 to index
            %get3A_374 = arith.index_cast %mul3A_92 : i32 to index
            %get3A_375 = tpu.vector_load %arg5[%get3A_372, %get3A_373, %get3A_374] {strides = array<i32>} : memref<32x1x1024xf32, #tpu.memory_space<vmem>>, vector<1x1x16xf32>,
            %get3A_376 = vector.shape_cast %get3A_375 : vector<1x1x16xf32> to vector<16xf32>
            %gt3A_377 = arith.constant 25 : i32
            %gt3A_378 = arith.cmpi sgt, %sub3A_83, %gt3A_377 : i32
            %select_n3A_379 = arith.select %gt3A_378, %get3A_376, %broadcast_in_dim3A_0 : vector<16xf32>
            %max3A_380 = arith.maximumf %max3A_369, %select_n3A_379 : vector<16xf32>
            %get3A_381 = arith.constant 26 : i32
            %get3A_382 = arith.constant 0 : i32
            %get3A_383 = arith.index_cast %get3A_381 : i32 to index
            %get3A_384 = arith.index_cast %get3A_382 : i32 to index
            %get3A_385 = arith.index_cast %mul3A_92 : i32 to index
            %get3A_386 = tpu.vector_load %arg5[%get3A_383, %get3A_384, %get3A_385] {strides = array<i32>} : memref<32x1x1024xf32, #tpu.memory_space<vmem>>, vector<1x1x16xf32>,
            %get3A_387 = vector.shape_cast %get3A_386 : vector<1x1x16xf32> to vector<16xf32>
            %gt3A_388 = arith.constant 26 : i32
            %gt3A_389 = arith.cmpi sgt, %sub3A_83, %gt3A_388 : i32
            %select_n3A_390 = arith.select %gt3A_389, %get3A_387, %broadcast_in_dim3A_0 : vector<16xf32>
            %max3A_391 = arith.maximumf %max3A_380, %select_n3A_390 : vector<16xf32>
            %get3A_392 = arith.constant 27 : i32
            %get3A_393 = arith.constant 0 : i32
            %get3A_394 = arith.index_cast %get3A_392 : i32 to index
            %get3A_395 = arith.index_cast %get3A_393 : i32 to index
            %get3A_396 = arith.index_cast %mul3A_92 : i32 to index
            %get3A_397 = tpu.vector_load %arg5[%get3A_394, %get3A_395, %get3A_396] {strides = array<i32>} : memref<32x1x1024xf32, #tpu.memory_space<vmem>>, vector<1x1x16xf32>,
            %get3A_398 = vector.shape_cast %get3A_397 : vector<1x1x16xf32> to vector<16xf32>
            %gt3A_399 = arith.constant 27 : i32
            %gt3A_400 = arith.cmpi sgt, %sub3A_83, %gt3A_399 : i32
            %select_n3A_401 = arith.select %gt3A_400, %get3A_398, %broadcast_in_dim3A_0 : vector<16xf32>
            %max3A_402 = arith.maximumf %max3A_391, %select_n3A_401 : vector<16xf32>
            %get3A_403 = arith.constant 28 : i32
            %get3A_404 = arith.constant 0 : i32
            %get3A_405 = arith.index_cast %get3A_403 : i32 to index
            %get3A_406 = arith.index_cast %get3A_404 : i32 to index
            %get3A_407 = arith.index_cast %mul3A_92 : i32 to index
            %get3A_408 = tpu.vector_load %arg5[%get3A_405, %get3A_406, %get3A_407] {strides = array<i32>} : memref<32x1x1024xf32, #tpu.memory_space<vmem>>, vector<1x1x16xf32>,
            %get3A_409 = vector.shape_cast %get3A_408 : vector<1x1x16xf32> to vector<16xf32>
            %gt3A_410 = arith.constant 28 : i32
            %gt3A_411 = arith.cmpi sgt, %sub3A_83, %gt3A_410 : i32
            %select_n3A_412 = arith.select %gt3A_411, %get3A_409, %broadcast_in_dim3A_0 : vector<16xf32>
            %max3A_413 = arith.maximumf %max3A_402, %select_n3A_412 : vector<16xf32>
            %get3A_414 = arith.constant 29 : i32
            %get3A_415 = arith.constant 0 : i32
            %get3A_416 = arith.index_cast %get3A_414 : i32 to index
            %get3A_417 = arith.index_cast %get3A_415 : i32 to index
            %get3A_418 = arith.index_cast %mul3A_92 : i32 to index
            %get3A_419 = tpu.vector_load %arg5[%get3A_416, %get3A_417, %get3A_418] {strides = array<i32>} : memref<32x1x1024xf32, #tpu.memory_space<vmem>>, vector<1x1x16xf32>,
            %get3A_420 = vector.shape_cast %get3A_419 : vector<1x1x16xf32> to vector<16xf32>
            %gt3A_421 = arith.constant 29 : i32
            %gt3A_422 = arith.cmpi sgt, %sub3A_83, %gt3A_421 : i32
            %select_n3A_423 = arith.select %gt3A_422, %get3A_420, %broadcast_in_dim3A_0 : vector<16xf32>
            %max3A_424 = arith.maximumf %max3A_413, %select_n3A_423 : vector<16xf32>
            %get3A_425 = arith.constant 30 : i32
            %get3A_426 = arith.constant 0 : i32
            %get3A_427 = arith.index_cast %get3A_425 : i32 to index
            %get3A_428 = arith.index_cast %get3A_426 : i32 to index
            %get3A_429 = arith.index_cast %mul3A_92 : i32 to index
            %get3A_430 = tpu.vector_load %arg5[%get3A_427, %get3A_428, %get3A_429] {strides = array<i32>} : memref<32x1x1024xf32, #tpu.memory_space<vmem>>, vector<1x1x16xf32>,
            %get3A_431 = vector.shape_cast %get3A_430 : vector<1x1x16xf32> to vector<16xf32>
            %gt3A_432 = arith.constant 30 : i32
            %gt3A_433 = arith.cmpi sgt, %sub3A_83, %gt3A_432 : i32
            %select_n3A_434 = arith.select %gt3A_433, %get3A_431, %broadcast_in_dim3A_0 : vector<16xf32>
            %max3A_435 = arith.maximumf %max3A_424, %select_n3A_434 : vector<16xf32>
            %get3A_436 = arith.constant 31 : i32
            %get3A_437 = arith.constant 0 : i32
            %get3A_438 = arith.index_cast %get3A_436 : i32 to index
            %get3A_439 = arith.index_cast %get3A_437 : i32 to index
            %get3A_440 = arith.index_cast %mul3A_92 : i32 to index
            %get3A_441 = tpu.vector_load %arg5[%get3A_438, %get3A_439, %get3A_440] {strides = array<i32>} : memref<32x1x1024xf32, #tpu.memory_space<vmem>>, vector<1x1x16xf32>,
            %get3A_442 = vector.shape_cast %get3A_441 : vector<1x1x16xf32> to vector<16xf32>
            %gt3A_443 = arith.constant 31 : i32
            %gt3A_444 = arith.cmpi sgt, %sub3A_83, %gt3A_443 : i32
            %select_n3A_445 = arith.select %gt3A_444, %get3A_442, %broadcast_in_dim3A_0 : vector<16xf32>
            %max3A_446 = arith.maximumf %max3A_435, %select_n3A_445 : vector<16xf32>
            %add3A_447 = arith.addi %mul3A_68, %mul3A_92 : i32
            %swap3A = arith.index_cast %add3A_447 : i32 to index
            %swap3A_448 = tpu.vector_load %arg6[%swap3A] {strides = array<i32>} : memref<8192xf32, #tpu.memory_space<vmem>>, vector<16xf32>,
            %swap3A_449 = vector.shape_cast %swap3A_448 : vector<16xf32> to vector<16xf32>
            %swap3A_450 = vector.shape_cast %max3A_446 : vector<16xf32> to vector<16xf32>
            tpu.vector_store %arg6[%swap3A], %swap3A_450 {strides = array<i32>} : memref<8192xf32, #tpu.memory_space<vmem>>, vector<16xf32>,
          }
          %scan3A_89 = arith.constant 64 : i32
        } else {
        }
      }
      %scan3A_74 = arith.constant 4 : i32
    }
    %scan3A_11 = arith.constant 8 : i32
    "tpu.region"() ({
      %run_scoped3A = tpu.sem_alloc : memref<!tpu.dma_semaphore, #tpu.memory_space<semaphore_mem>>
      %dma_start3A = arith.constant 0 : i32
      %dma_start3A_56 = tpu.memref_slice %arg10[%arg1, %dma_start3A] : memref<16x8192xf32, #tpu.memory_space<vmem_shared>> -> memref<1x8192xf32, #tpu.memory_space<vmem_shared>>
      %dma_start3A_57 = tpu.memref_squeeze %dma_start3A_56 : memref<1x8192xf32, #tpu.memory_space<vmem_shared>> -> memref<8192xf32, #tpu.memory_space<vmem_shared>>
      %dma_start3A_58 = arith.constant 0 : i32
      %dma_start3A_59 = tpu.memref_slice %arg10[%arg1, %dma_start3A_58] : memref<16x8192xf32, #tpu.memory_space<vmem_shared>> -> memref<1x8192xf32, #tpu.memory_space<vmem_shared>>
      %dma_start3A_60 = tpu.memref_squeeze %dma_start3A_59 : memref<1x8192xf32, #tpu.memory_space<vmem_shared>> -> memref<8192xf32, #tpu.memory_space<vmem_shared>>
      tpu.enqueue_dma source(%arg6 : memref<8192xf32, #tpu.memory_space<vmem>>) target(%dma_start3A_60 : memref<8192xf32, #tpu.memory_space<vmem_shared>>) target_semaphore(%run_scoped3A : memref<!tpu.dma_semaphore, #tpu.memory_space<semaphore_mem>>)
      %dma_wait3A = arith.constant 0 : i32
      %dma_wait3A_61 = tpu.memref_slice %arg10[%arg1, %dma_wait3A] : memref<16x8192xf32, #tpu.memory_space<vmem_shared>> -> memref<1x8192xf32, #tpu.memory_space<vmem_shared>>
      %dma_wait3A_62 = tpu.memref_squeeze %dma_wait3A_61 : memref<1x8192xf32, #tpu.memory_space<vmem_shared>> -> memref<8192xf32, #tpu.memory_space<vmem_shared>>
      %dma_wait3A_63 = arith.constant 0 : i32
      %dma_wait3A_64 = tpu.memref_slice %arg10[%arg1, %dma_wait3A_63] : memref<16x8192xf32, #tpu.memory_space<vmem_shared>> -> memref<1x8192xf32, #tpu.memory_space<vmem_shared>>
      %dma_wait3A_65 = tpu.memref_squeeze %dma_wait3A_64 : memref<1x8192xf32, #tpu.memory_space<vmem_shared>> -> memref<8192xf32, #tpu.memory_space<vmem_shared>>
      tpu.wait_dma2 semaphore(%run_scoped3A : memref<!tpu.dma_semaphore, #tpu.memory_space<semaphore_mem>>) src(%arg6 : memref<8192xf32, #tpu.memory_space<vmem>>) dst(%dma_wait3A_65 : memref<8192xf32, #tpu.memory_space<vmem_shared>>)
      tpu.yield
    }) : () -> ()
    %barrier3A = arith.constant 0 : index
    tpu.barrier barrier_id(%barrier3A)
    %jit3A = arith.constant 2 : i32
    %div3A = arith.divsi %arg1, %jit3A : i32
    %sign3A = arith.constant 0 : i32
    %sign3A_12 = arith.cmpi sgt, %arg1, %sign3A : i32
    %sign3A_13 = arith.extui %sign3A_12 : i1 to i32
    %sign3A_14 = arith.constant 0 : i32
    %sign3A_15 = arith.cmpi slt, %arg1, %sign3A_14 : i32
    %sign3A_16 = arith.extui %sign3A_15 : i1 to i32
    %sign3A_17 = arith.subi %sign3A_13, %sign3A_16 : i32
    %sign3A_18 = arith.constant 0 : i32
    %sign3A_19 = arith.cmpi sgt, %jit3A, %sign3A_18 : i32
    %sign3A_20 = arith.extui %sign3A_19 : i1 to i32
    %sign3A_21 = arith.constant 0 : i32
    %sign3A_22 = arith.cmpi slt, %jit3A, %sign3A_21 : i32
    %sign3A_23 = arith.extui %sign3A_22 : i1 to i32
    %sign3A_24 = arith.subi %sign3A_20, %sign3A_23 : i32
    %ne3A = arith.cmpi ne, %sign3A_17, %sign3A_24 : i32
    %rem3A = arith.remsi %arg1, %jit3A : i32
    %ne3A_25 = arith.constant 0 : i32
    %ne3A_26 = arith.cmpi ne, %rem3A, %ne3A_25 : i32
    %and3A = arith.andi %ne3A, %ne3A_26 : i1
    %sub3A = arith.constant 1 : i32
    %sub3A_27 = arith.subi %div3A, %sub3A : i32
    %select_n3A = arith.select %and3A, %sub3A_27, %div3A : i32
    %jit3A_28 = arith.constant 2 : i32
    %eq3A = arith.constant 0 : i32
    %eq3A_29 = arith.cmpi eq, %jit3A_28, %eq3A : i32
    %jit3A_30 = arith.constant 1 : i32
    %select_n3A_31 = arith.select %eq3A_29, %jit3A_30, %jit3A_28 : i32
    %rem3A_32 = arith.remsi %arg1, %select_n3A_31 : i32
    %ne3A_33 = arith.constant 0 : i32
    %ne3A_34 = arith.cmpi ne, %rem3A_32, %ne3A_33 : i32
    %lt3A = arith.constant 0 : i32
    %lt3A_35 = arith.cmpi slt, %rem3A_32, %lt3A : i32
    %lt3A_36 = arith.constant 0 : i32
    %lt3A_37 = arith.cmpi slt, %select_n3A_31, %lt3A_36 : i32
    %ne3A_38 = arith.xori %lt3A_35, %lt3A_37 : i1
    %and3A_39 = arith.andi %ne3A_38, %ne3A_34 : i1
    %add3A = arith.addi %rem3A_32, %select_n3A_31 : i32
    %select_n3A_40 = arith.select %and3A_39, %add3A, %rem3A_32 : i32
    %mul3A = arith.constant 1024 : i32
    %mul3A_41 = arith.muli %select_n3A, %mul3A : i32
    %mul3A_42 = arith.constant 512 : i32
    %mul3A_43 = arith.muli %select_n3A_40, %mul3A_42 : i32
    %add3A_44 = arith.addi %mul3A_41, %mul3A_43 : i32
    "tpu.region"() ({
      %run_scoped3A = tpu.sem_alloc : memref<!tpu.dma_semaphore, #tpu.memory_space<semaphore_mem>>
      %dma_start3A = arith.constant 0 : i32
      %dma_start3A_56 = tpu.memref_slice %arg10[%dma_start3A, %add3A_44] : memref<16x8192xf32, #tpu.memory_space<vmem_shared>> -> memref<16x512xf32, #tpu.memory_space<vmem_shared>>
      %dma_start3A_57 = arith.constant 0 : i32
      %dma_start3A_58 = tpu.memref_slice %arg10[%dma_start3A_57, %add3A_44] : memref<16x8192xf32, #tpu.memory_space<vmem_shared>> -> memref<16x512xf32, #tpu.memory_space<vmem_shared>>
      tpu.enqueue_dma source(%dma_start3A_58 : memref<16x512xf32, #tpu.memory_space<vmem_shared>>) target(%arg8 : memref<16x512xf32, #tpu.memory_space<vmem>>) target_semaphore(%run_scoped3A : memref<!tpu.dma_semaphore, #tpu.memory_space<semaphore_mem>>)
      %dma_wait3A = arith.constant 0 : i32
      %dma_wait3A_59 = tpu.memref_slice %arg10[%dma_wait3A, %add3A_44] : memref<16x8192xf32, #tpu.memory_space<vmem_shared>> -> memref<16x512xf32, #tpu.memory_space<vmem_shared>>
      %dma_wait3A_60 = arith.constant 0 : i32
      %dma_wait3A_61 = tpu.memref_slice %arg10[%dma_wait3A_60, %add3A_44] : memref<16x8192xf32, #tpu.memory_space<vmem_shared>> -> memref<16x512xf32, #tpu.memory_space<vmem_shared>>
      tpu.wait_dma2 semaphore(%run_scoped3A : memref<!tpu.dma_semaphore, #tpu.memory_space<semaphore_mem>>) src(%dma_wait3A_61 : memref<16x512xf32, #tpu.memory_space<vmem_shared>>) dst(%arg8 : memref<16x512xf32, #tpu.memory_space<vmem>>)
      tpu.yield
    }) : () -> ()
    %scan3A_45 = arith.constant 0 : i32
    %scan3A_46 = arith.constant 0 : i32
    %scan3A_47 = arith.constant 32 : i32
    %scan3A_48 = arith.addi %scan3A_46, %scan3A_47 : i32
    %scan3A_49 = arith.constant 1 : i32
    scf.for %scan3A_56 = %scan3A_46 to %scan3A_48 step %scan3A_49  : i32 {
      %mul3A_57 = arith.constant 16 : i32
      %mul3A_58 = arith.muli %scan3A_56, %mul3A_57 : i32
      %get3A = arith.constant 0 : i32
      %get3A_59 = arith.index_cast %get3A : i32 to index
      %get3A_60 = arith.index_cast %mul3A_58 : i32 to index
      %get3A_61 = tpu.vector_load %arg8[%get3A_59, %get3A_60] {strides = array<i32>} : memref<16x512xf32, #tpu.memory_space<vmem>>, vector<1x16xf32>,
      %get3A_62 = vector.shape_cast %get3A_61 : vector<1x16xf32> to vector<16xf32>
      %get3A_63 = arith.constant 1 : i32
      %get3A_64 = arith.index_cast %get3A_63 : i32 to index
      %get3A_65 = arith.index_cast %mul3A_58 : i32 to index
      %get3A_66 = tpu.vector_load %arg8[%get3A_64, %get3A_65] {strides = array<i32>} : memref<16x512xf32, #tpu.memory_space<vmem>>, vector<1x16xf32>,
      %get3A_67 = vector.shape_cast %get3A_66 : vector<1x16xf32> to vector<16xf32>
      %max3A = arith.maximumf %get3A_62, %get3A_67 : vector<16xf32>
      %get3A_68 = arith.constant 2 : i32
      %get3A_69 = arith.index_cast %get3A_68 : i32 to index
      %get3A_70 = arith.index_cast %mul3A_58 : i32 to index
      %get3A_71 = tpu.vector_load %arg8[%get3A_69, %get3A_70] {strides = array<i32>} : memref<16x512xf32, #tpu.memory_space<vmem>>, vector<1x16xf32>,
      %get3A_72 = vector.shape_cast %get3A_71 : vector<1x16xf32> to vector<16xf32>
      %max3A_73 = arith.maximumf %max3A, %get3A_72 : vector<16xf32>
      %get3A_74 = arith.constant 3 : i32
      %get3A_75 = arith.index_cast %get3A_74 : i32 to index
      %get3A_76 = arith.index_cast %mul3A_58 : i32 to index
      %get3A_77 = tpu.vector_load %arg8[%get3A_75, %get3A_76] {strides = array<i32>} : memref<16x512xf32, #tpu.memory_space<vmem>>, vector<1x16xf32>,
      %get3A_78 = vector.shape_cast %get3A_77 : vector<1x16xf32> to vector<16xf32>
      %max3A_79 = arith.maximumf %max3A_73, %get3A_78 : vector<16xf32>
      %get3A_80 = arith.constant 4 : i32
      %get3A_81 = arith.index_cast %get3A_80 : i32 to index
      %get3A_82 = arith.index_cast %mul3A_58 : i32 to index
      %get3A_83 = tpu.vector_load %arg8[%get3A_81, %get3A_82] {strides = array<i32>} : memref<16x512xf32, #tpu.memory_space<vmem>>, vector<1x16xf32>,
      %get3A_84 = vector.shape_cast %get3A_83 : vector<1x16xf32> to vector<16xf32>
      %max3A_85 = arith.maximumf %max3A_79, %get3A_84 : vector<16xf32>
      %get3A_86 = arith.constant 5 : i32
      %get3A_87 = arith.index_cast %get3A_86 : i32 to index
      %get3A_88 = arith.index_cast %mul3A_58 : i32 to index
      %get3A_89 = tpu.vector_load %arg8[%get3A_87, %get3A_88] {strides = array<i32>} : memref<16x512xf32, #tpu.memory_space<vmem>>, vector<1x16xf32>,
      %get3A_90 = vector.shape_cast %get3A_89 : vector<1x16xf32> to vector<16xf32>
      %max3A_91 = arith.maximumf %max3A_85, %get3A_90 : vector<16xf32>
      %get3A_92 = arith.constant 6 : i32
      %get3A_93 = arith.index_cast %get3A_92 : i32 to index
      %get3A_94 = arith.index_cast %mul3A_58 : i32 to index
      %get3A_95 = tpu.vector_load %arg8[%get3A_93, %get3A_94] {strides = array<i32>} : memref<16x512xf32, #tpu.memory_space<vmem>>, vector<1x16xf32>,
      %get3A_96 = vector.shape_cast %get3A_95 : vector<1x16xf32> to vector<16xf32>
      %max3A_97 = arith.maximumf %max3A_91, %get3A_96 : vector<16xf32>
      %get3A_98 = arith.constant 7 : i32
      %get3A_99 = arith.index_cast %get3A_98 : i32 to index
      %get3A_100 = arith.index_cast %mul3A_58 : i32 to index
      %get3A_101 = tpu.vector_load %arg8[%get3A_99, %get3A_100] {strides = array<i32>} : memref<16x512xf32, #tpu.memory_space<vmem>>, vector<1x16xf32>,
      %get3A_102 = vector.shape_cast %get3A_101 : vector<1x16xf32> to vector<16xf32>
      %max3A_103 = arith.maximumf %max3A_97, %get3A_102 : vector<16xf32>
      %get3A_104 = arith.constant 8 : i32
      %get3A_105 = arith.index_cast %get3A_104 : i32 to index
      %get3A_106 = arith.index_cast %mul3A_58 : i32 to index
      %get3A_107 = tpu.vector_load %arg8[%get3A_105, %get3A_106] {strides = array<i32>} : memref<16x512xf32, #tpu.memory_space<vmem>>, vector<1x16xf32>,
      %get3A_108 = vector.shape_cast %get3A_107 : vector<1x16xf32> to vector<16xf32>
      %max3A_109 = arith.maximumf %max3A_103, %get3A_108 : vector<16xf32>
      %get3A_110 = arith.constant 9 : i32
      %get3A_111 = arith.index_cast %get3A_110 : i32 to index
      %get3A_112 = arith.index_cast %mul3A_58 : i32 to index
      %get3A_113 = tpu.vector_load %arg8[%get3A_111, %get3A_112] {strides = array<i32>} : memref<16x512xf32, #tpu.memory_space<vmem>>, vector<1x16xf32>,
      %get3A_114 = vector.shape_cast %get3A_113 : vector<1x16xf32> to vector<16xf32>
      %max3A_115 = arith.maximumf %max3A_109, %get3A_114 : vector<16xf32>
      %get3A_116 = arith.constant 10 : i32
      %get3A_117 = arith.index_cast %get3A_116 : i32 to index
      %get3A_118 = arith.index_cast %mul3A_58 : i32 to index
      %get3A_119 = tpu.vector_load %arg8[%get3A_117, %get3A_118] {strides = array<i32>} : memref<16x512xf32, #tpu.memory_space<vmem>>, vector<1x16xf32>,
      %get3A_120 = vector.shape_cast %get3A_119 : vector<1x16xf32> to vector<16xf32>
      %max3A_121 = arith.maximumf %max3A_115, %get3A_120 : vector<16xf32>
      %get3A_122 = arith.constant 11 : i32
      %get3A_123 = arith.index_cast %get3A_122 : i32 to index
      %get3A_124 = arith.index_cast %mul3A_58 : i32 to index
      %get3A_125 = tpu.vector_load %arg8[%get3A_123, %get3A_124] {strides = array<i32>} : memref<16x512xf32, #tpu.memory_space<vmem>>, vector<1x16xf32>,
      %get3A_126 = vector.shape_cast %get3A_125 : vector<1x16xf32> to vector<16xf32>
      %max3A_127 = arith.maximumf %max3A_121, %get3A_126 : vector<16xf32>
      %get3A_128 = arith.constant 12 : i32
      %get3A_129 = arith.index_cast %get3A_128 : i32 to index
      %get3A_130 = arith.index_cast %mul3A_58 : i32 to index
      %get3A_131 = tpu.vector_load %arg8[%get3A_129, %get3A_130] {strides = array<i32>} : memref<16x512xf32, #tpu.memory_space<vmem>>, vector<1x16xf32>,
      %get3A_132 = vector.shape_cast %get3A_131 : vector<1x16xf32> to vector<16xf32>
      %max3A_133 = arith.maximumf %max3A_127, %get3A_132 : vector<16xf32>
      %get3A_134 = arith.constant 13 : i32
      %get3A_135 = arith.index_cast %get3A_134 : i32 to index
      %get3A_136 = arith.index_cast %mul3A_58 : i32 to index
      %get3A_137 = tpu.vector_load %arg8[%get3A_135, %get3A_136] {strides = array<i32>} : memref<16x512xf32, #tpu.memory_space<vmem>>, vector<1x16xf32>,
      %get3A_138 = vector.shape_cast %get3A_137 : vector<1x16xf32> to vector<16xf32>
      %max3A_139 = arith.maximumf %max3A_133, %get3A_138 : vector<16xf32>
      %get3A_140 = arith.constant 14 : i32
      %get3A_141 = arith.index_cast %get3A_140 : i32 to index
      %get3A_142 = arith.index_cast %mul3A_58 : i32 to index
      %get3A_143 = tpu.vector_load %arg8[%get3A_141, %get3A_142] {strides = array<i32>} : memref<16x512xf32, #tpu.memory_space<vmem>>, vector<1x16xf32>,
      %get3A_144 = vector.shape_cast %get3A_143 : vector<1x16xf32> to vector<16xf32>
      %max3A_145 = arith.maximumf %max3A_139, %get3A_144 : vector<16xf32>
      %get3A_146 = arith.constant 15 : i32
      %get3A_147 = arith.index_cast %get3A_146 : i32 to index
      %get3A_148 = arith.index_cast %mul3A_58 : i32 to index
      %get3A_149 = tpu.vector_load %arg8[%get3A_147, %get3A_148] {strides = array<i32>} : memref<16x512xf32, #tpu.memory_space<vmem>>, vector<1x16xf32>,
      %get3A_150 = vector.shape_cast %get3A_149 : vector<1x16xf32> to vector<16xf32>
      %max3A_151 = arith.maximumf %max3A_145, %get3A_150 : vector<16xf32>
      %swap3A = arith.index_cast %mul3A_58 : i32 to index
      %swap3A_152 = tpu.vector_load %arg9[%swap3A] {strides = array<i32>} : memref<512xf32, #tpu.memory_space<vmem>>, vector<16xf32>,
      %swap3A_153 = vector.shape_cast %swap3A_152 : vector<16xf32> to vector<16xf32>
      %swap3A_154 = vector.shape_cast %max3A_151 : vector<16xf32> to vector<16xf32>
      tpu.vector_store %arg9[%swap3A], %swap3A_154 {strides = array<i32>} : memref<512xf32, #tpu.memory_space<vmem>>, vector<16xf32>,
    }
    %scan3A_50 = arith.constant 32 : i32
    %mul3A_51 = arith.constant 8 : i32
    %mul3A_52 = arith.muli %arg0, %mul3A_51 : i32
    %add3A_53 = arith.addi %mul3A_52, %select_n3A : i32
    %mul3A_54 = arith.constant 512 : i32
    %mul3A_55 = arith.muli %select_n3A_40, %mul3A_54 : i32
    "tpu.region"() ({
      %run_scoped3A = tpu.sem_alloc : memref<!tpu.dma_semaphore, #tpu.memory_space<semaphore_mem>>
      %dma_start3A = tpu.memref_slice %arg4[%add3A_53, %mul3A_55] : memref<16x1024xf32, #tpu.memory_space<hbm>> -> memref<1x512xf32, #tpu.memory_space<hbm>>
      %dma_start3A_56 = tpu.memref_squeeze %dma_start3A : memref<1x512xf32, #tpu.memory_space<hbm>> -> memref<512xf32, #tpu.memory_space<hbm>>
      %dma_start3A_57 = tpu.memref_slice %arg4[%add3A_53, %mul3A_55] : memref<16x1024xf32, #tpu.memory_space<hbm>> -> memref<1x512xf32, #tpu.memory_space<hbm>>
      %dma_start3A_58 = tpu.memref_squeeze %dma_start3A_57 : memref<1x512xf32, #tpu.memory_space<hbm>> -> memref<512xf32, #tpu.memory_space<hbm>>
      tpu.enqueue_dma source(%arg9 : memref<512xf32, #tpu.memory_space<vmem>>) target(%dma_start3A_58 : memref<512xf32, #tpu.memory_space<hbm>>) target_semaphore(%run_scoped3A : memref<!tpu.dma_semaphore, #tpu.memory_space<semaphore_mem>>)
      %dma_wait3A = tpu.memref_slice %arg4[%add3A_53, %mul3A_55] : memref<16x1024xf32, #tpu.memory_space<hbm>> -> memref<1x512xf32, #tpu.memory_space<hbm>>
      %dma_wait3A_59 = tpu.memref_squeeze %dma_wait3A : memref<1x512xf32, #tpu.memory_space<hbm>> -> memref<512xf32, #tpu.memory_space<hbm>>
      %dma_wait3A_60 = tpu.memref_slice %arg4[%add3A_53, %mul3A_55] : memref<16x1024xf32, #tpu.memory_space<hbm>> -> memref<1x512xf32, #tpu.memory_space<hbm>>
      %dma_wait3A_61 = tpu.memref_squeeze %dma_wait3A_60 : memref<1x512xf32, #tpu.memory_space<hbm>> -> memref<512xf32, #tpu.memory_space<hbm>>
      tpu.wait_dma2 semaphore(%run_scoped3A : memref<!tpu.dma_semaphore, #tpu.memory_space<semaphore_mem>>) src(%arg9 : memref<512xf32, #tpu.memory_space<vmem>>) dst(%dma_wait3A_61 : memref<512xf32, #tpu.memory_space<hbm>>)
      tpu.yield
    }) : () -> ()
    return
  }
}

</mosaic_0001>

<sc_bundles>
// kernel: kernel.3.cloned.1.call-start
scs
__scs_entry_jumppad:
0x0: {  	(pc) =	sbr.rel $0x88, $3  }
0x1: {  	(tag) =	ssettag $0x0;
	lr =	simm.s32 $0x1  }
0x2: {  	[smem:$0x3F9F] =	sst lr;
	_ =	strace $0xD0000000  }
0x3: {  	_ = 	snop  }
0x4: {  	_ = 	snop  }
0x5: {  	_ = 	snop  }
0x6: {  	_ = 	snop  }
0x7: {  	_ = 	snop  }
__scs_overlays_trampoline_lowered:
0x8: {  	[smem:$0x3FAE] =	sst s0  }
0x9: {  	[smem:$0x3FAF] =	sst s1  }
0xa: {  	[smem:$0x3FB0] =	sst s2  }
0xb: {  	[smem:$0x3FB1] =	sst s3  }
0xc: {  	[smem:$0x3FB2] =	sst s4  }
0xd: {  	[smem:$0x3FB3] =	sst s5  }
0xe: {  	[smem:$0x3FB4] =	sst s6  }
0xf: {  	[smem:$0x3FB5] =	sst s7  }
0x10: {  	[smem:$0x3FB6] =	sst s8  }
0x11: {  	[smem:$0x3FB7] =	sst s9;
	s0 =	simm.s32 @!p0 $0x0  }
0x12: {  	s1 =	sld [smem:$0x3F9D];
	s0 =	simm.s32 @p0 $0x1  }
0x13: {  	[smem:$0x3FB8] =	sst s0;
	s0 =	simm.s32 @!p1 $0x0  }
0x14: {  	s2 =	sld [smem:$0x3F9C];
	s0 =	simm.s32 @p1 $0x1  }
0x15: {  	[smem:$0x3FB9] =	sst s0;
	s0 =	simm.s32 @!p2 $0x0  }
0x16: {  	s3 =	sld [smem:$0x3FDB];
	s0 =	simm.s32 @p2 $0x1  }
0x17: {  	s4 =	simm.s32 $0x1BF5;
	[smem:$0x3FBB] =	sst s0  }
0x18: {  	s0 =	sld [smem:$0x3F9E];
	_ =	swait.ge [sflag:s4], $0x0  }
0x19: {  	s7 =	sld [smem:$0x3F9F]  }
0x1a: {  	s8 =	sadd.s32 $0xFFFFE003, lr  }
0x1b: {  	s9 =	sadd.s32 $0xFFFFFEF7, lr;
	s5 =	simm.s32 $0xFFFFFFFF;
	p2 =	slt.u32 s8, $0xFFFFF086  }
0x1c: {  	p1 =	slt.u32 s9, $0xF7A;
	s5 =	simm.s32 @!p2 $0x0  }
0x1d: {  	s5 =	simm.s32 @p1 $0x1;
	p0 =	seq.s32 s7, s2  }
0x1e: {  	s7 =	smul.u32 @!p0 $0xF7A, s2;
	p2 =	seq.s32 @!p0 s5, $0x0  }
0x1f: {  	s9 =	smul.u32 $0xF7A, s1;
	s8 =	simm.s32 @!p0 $0x1BF5;
	p2 =	por !p2, p0  }
0x20: {  	[sflag:s8] =	ssyncset.s32 @!p0 $0xFFFFF086;
	s6 =	sadd.s32 @!p0 s3, s7;
	s7 =	simm.s32 @!p0 $0x108  }
0x21: {  	s3 =	sadd.s32 s3, s9;
	s6 =	sadd.s32 @!p0 $0x88, s6;
	s7 =	simm.s32 @p2 $0x1082  }
0x22: {  	[simem:s7], [sflag:s8] =	dma.local @!p0 [hbm:s6], $0xF7A  }
0x23: {  	s9 =	sor.u32 $0xD0000000, s2;
	s6 =	simm.s32 $0x108;
	_ =	swait.ge @!p0 [sflag:s8], $0x0  }
0x24: {  	s3 =	sadd.s32 $0x88, s3;
	s6 =	simm.s32 @!p1 $0x1082;
	[sflag:s4] =	ssyncset.s32 $0xFFFFF086  }
0x25: {  	[simem:s6], [sflag:s4] =	dma.local [hbm:s3], $0xF7A  }
0x26: {  	[smem:$0x3F9F] =	sst s1;
	(tag) =	ssettag s2;
	_ =	strace s9  }
0x27: {  	s1 =	sld [smem:$0x3FAF]  }
0x28: {  	s2 =	sld [smem:$0x3FB0]  }
0x29: {  	s4 =	sld [smem:$0x3FB2]  }
0x2a: {  	p0 =	seq.s32 s5, $0x0;
	s5 =	sld [smem:$0x3FB3]  }
0x2b: {  	s6 =	sld [smem:$0x3FB4]  }
0x2c: {  	s7 =	sld [smem:$0x3FB5]  }
0x2d: {  	s3 =	simm.s32 $0x108;
	s8 =	sld [smem:$0x3FB6]  }
0x2e: {  	s3 =	simm.s32 @!p0 $0x1082;
	s9 =	sld [smem:$0x3FB7]  }
0x2f: {  	lr =	sadd.s32 s0, s3;
	s0 =	sld [smem:$0x3FAE]  }
0x30: {  	s3 =	sld [smem:$0x3FB1]  }
0x31: {  	[smem:$0x3FBA] =	sst s10  }
0x32: {  	s10 =	sld [smem:$0x3FB8];
	_ =	sdelay $0x3  }
0x33: {  	p0 =	seq.s32 s10, $0x1;
	s10 =	sld [smem:$0x3FBA];
	_ =	sdelay $0x3  }
0x34: {  	[smem:$0x3FBA] =	sst s10  }
0x35: {  	s10 =	sld [smem:$0x3FB9];
	_ =	sdelay $0x3  }
0x36: {  	p1 =	seq.s32 s10, $0x1;
	s10 =	sld [smem:$0x3FBA];
	_ =	sdelay $0x3  }
0x37: {  	[smem:$0x3FBA] =	sst s10  }
0x38: {  	s10 =	sld [smem:$0x3FBB]  }
0x39: {  	_ = 	snop;
	(pc) =	sbr.ind lr, $3  }
0x3a: {  	_ = 	snop  }
0x3b: {  	_ = 	snop  }
0x3c: {  	p2 =	seq.s32 s10, $0x1;
	s10 =	sld [smem:$0x3FBA]  }
0x3d: {  	_ =	shalt  }
0x3e: {  	_ =	shalt  }
0x3f: {  	_ =	shalt  }
0x40: {  	_ =	shalt  }
0x41: {  	_ =	shalt  }
0x42: {  	_ =	shalt  }
0x43: {  	_ =	shalt  }
0x44: {  	_ =	shalt  }
0x45: {  	_ =	shalt  }
0x46: {  	_ =	shalt  }
0x47: {  	_ =	shalt  }
0x48: {  	_ =	shalt  }
0x49: {  	_ =	shalt  }
0x4a: {  	_ =	shalt  }
0x4b: {  	_ =	shalt  }
0x4c: {  	_ =	shalt  }
0x4d: {  	_ =	shalt  }
0x4e: {  	_ =	shalt  }
0x4f: {  	_ =	shalt  }
0x50: {  	_ =	shalt  }
0x51: {  	_ =	shalt  }
0x52: {  	_ =	shalt  }
0x53: {  	_ =	shalt  }
0x54: {  	_ =	shalt  }
0x55: {  	_ =	shalt  }
0x56: {  	_ =	shalt  }
0x57: {  	_ =	shalt  }
0x58: {  	_ =	shalt  }
0x59: {  	_ =	shalt  }
0x5a: {  	_ =	shalt  }
0x5b: {  	_ =	shalt  }
0x5c: {  	_ =	shalt  }
0x5d: {  	_ =	shalt  }
0x5e: {  	_ =	shalt  }
0x5f: {  	_ =	shalt  }
0x60: {  	_ =	shalt  }
0x61: {  	_ =	shalt  }
0x62: {  	_ =	shalt  }
0x63: {  	_ =	shalt  }
0x64: {  	_ =	shalt  }
0x65: {  	_ =	shalt  }
0x66: {  	_ =	shalt  }
0x67: {  	_ =	shalt  }
0x68: {  	_ =	shalt  }
0x69: {  	_ =	shalt  }
0x6a: {  	_ =	shalt  }
0x6b: {  	_ =	shalt  }
0x6c: {  	_ =	shalt  }
0x6d: {  	_ =	shalt  }
0x6e: {  	_ =	shalt  }
0x6f: {  	_ =	shalt  }
0x70: {  	_ =	shalt  }
0x71: {  	_ =	shalt  }
0x72: {  	_ =	shalt  }
0x73: {  	_ =	shalt  }
0x74: {  	_ =	shalt  }
0x75: {  	_ =	shalt  }
0x76: {  	_ =	shalt  }
0x77: {  	_ =	shalt  }
0x78: {  	_ =	shalt  }
0x79: {  	_ =	shalt  }
0x7a: {  	_ =	shalt  }
0x7b: {  	_ =	shalt  }
0x7c: {  	_ =	shalt  }
0x7d: {  	_ =	shalt  }
0x7e: {  	_ =	shalt  }
0x7f: {  	_ =	shalt  }
0x80: {  	_ =	shalt  }
0x81: {  	_ =	shalt  }
0x82: {  	_ =	shalt  }
0x83: {  	_ =	shalt  }
0x84: {  	_ =	shalt  }
0x85: {  	_ =	shalt  }
0x86: {  	_ =	shalt  }
0x87: {  	_ =	shalt  }
.Lfunc_end0:
.L_simem_size_0:
called_computation_lowered:
.L_overlay_start_0:
0x88: {  	s2 =	sld [smem:$0x3FD9]  }
0x89: {  	s3 =	sld [smem:$0x3FFE];
	_ =	sdelay $0x1  }
0x8a: {  	s1 =	srdreg.scid  }
0x8b: {  	s0 =	sand.u32 $0x1, s1  }
0x8c: {  	s18 =	sshll.u32 s0, $0xA;
	s2 =	sadd.s32 s3, s2  }
0x8d: {  	s2 =	sadd.s32 s2, s18  }
0x8e: {  	[smem:$0x3FC6] =	sst s2  }
0x8f: {  	_ = 	snop  }
0x90: {  	s2 =	sld [smem:$0x3FC9]  }
0x91: {  	s19 =	sld [smem:$0x3FC8]  }
0x92: {  	s4 =	sld [smem:$0x3FD0];
	(tm) =	ssettm $0x1  }
0x93: {  	s5 =	sld [smem:$0x3FFB];
	_ =	sdelay $0x3  }
0x94: {  	_ =	strace s5  }
0x95: {  	s5 =	sld [smem:$0x3FFC];
	_ =	sdelay $0x3  }
0x96: {  	_ =	strace s5  }
0x97: {  	s5 =	sld [smem:$0x3FFD];
	_ =	sdelay $0x3  }
0x98: {  	_ =	strace s5  }
0x99: {  	_ =	strace $0x8FFFFFFF  }
0x9a: {  	s20 =	sld [smem:$0x3FDB];
	_ =	sdelay $0x1  }
0x9b: {  	s6 =	simm.s32 $_scs_section_size  }
0x9c: {  	s7 =	simm.s32 $_size__tile_overlayer_lowered;
	s8 =	simm.s32 $_tile_overlayer_lowered  }
0x9d: {  	s23 =	simm.s32 $0x1BFF;
	s22 =	sshll.u32 s8, $0x1;
	s5 =	sadd.s32 s6, s20  }
0x9e: {  	s9 =	simm.s32 $0x0;
	s21 =	sshll.u32 s7, $0x1;
	s7 =	sadd.s32 s22, s5  }
0x9f: {  	[timem:s9], [sflag:s23] =	dma.local [hbm:s7], s21  }
0xa0: {  	_ =	swait.ge [sflag:s23], s21  }
0xa1: {  	s6 =	ssub.s32 $0x0, s21;
	[sflag:s23] =	ssyncset.done $0x0  }
0xa2: {  	[sflag:s23] =	ssyncadd.s32 s6;
	_ =	sdelay $0x1  }
0xa3: {  	s24 =	simm.s32 $0x1B8B  }
0xa4: {  	_ =	swait.ge [sflag:s24], $0x1  }
0xa5: {  	[sflag:s24] =	ssyncset.done $0x0  }
0xa6: {  	s25 =	simm.s32 $0x1B8E;
	[sflag:s24] =	ssyncadd.s32 $0xFFFFFFFF  }
0xa7: {  	s26 =	simm.s32 $execute0_lowered;
	[smem:$0x3FD2] =	sst s25  }
0xa8: {  	s6 =	sshll.u32 s26, $0x1;
	_ =	strace $0x80000046;
	[dreg:$0x1] =	wrdreg $0xFFFFFFFF  }
0xa9: {  	s28 =	simm.s32 $_size_execute0_lowered;
	s5 =	sadd.s32 s5, s6;
	[dreg:$0x0] =	wrdreg $0x0  }
0xaa: {  	s6 =	sshll.u32 s28, $0x1;
	[dreg:$0x2] =	wrdreg s5  }
0xab: {  	[dreg:$0x3] =	wrdreg s6  }
0xac: {  	[dreg:$0x4] =	wrdreg $0xC0  }
0xad: {  	_ =	task [dreg:s9], $0x5FFFF  }
0xae: {  	[dreg:$0x1] =	wrdreg $0xFFFFFFFF  }
0xaf: {  	[dreg:$0x0] =	wrdreg $0x60  }
0xb0: {  	[dreg:$0x2] =	wrdreg s2  }
0xb1: {  	[dreg:$0x3] =	wrdreg s19  }
0xb2: {  	[dreg:$0x4] =	wrdreg s4  }
0xb3: {  	[dreg:$0x5] =	wrdreg $0xC2800  }
0xb4: {  	[dreg:$0x6] =	wrdreg $0x9  }
0xb5: {  	_ =	task.clear_ibuf [dreg:s9], $0x7FFFF;
	_ =	strace $0x90000046  }
0xb6: {  	s29 =	simm.s32 $0x9;
	_ =	strace $0x80000048  }
0xb7: {  	_ =	swait.ge [sflag:s29], $0x1  }
0xb8: {  	[sflag:s29] =	ssyncadd.s32 $0xFFFFFFFF  }
0xb9: {  	_ =	strace $0x90000048  }
0xba: {  	_ =	sfence  }
0xbb: {  	s30 =	sld [smem:$0x0];
	_ =	sdelay $0x2  }
0xbc: {  	s31 =	sshll.u32 s1, $0xD;
	s1 =	sshrl.u32 s1, $0x2  }
0xbd: {  	s3 =	sand.u32 $0x4000, s31;
	s1 =	sadd.s32 s1, s30  }
0xbe: {  	s0 =	sor.u32 s3, s0;
	s1 =	sshll.u32 s1, $0x11  }
0xbf: {  	s0 =	sor.u32 s1, s0  }
0xc0: {  	s0 =	sadd.s32 $0x8F2B, s0  }
0xc1: {  	[sflag:s0] =	ssyncadd.remote.s32 $0x1  }
0xc2: {  	_ =	sfence.sel $0xFFFF  }
0xc3: {  	[dreg:$0x0] =	wrdreg $0xFFFFFFFF;
	(pc) =	sbr.abs _section_cstart, $3  }
0xc4: {  	[dreg:$0x1] =	wrdreg $0xFFFFFFFF  }
0xc5: {  	_ =	task.clear_ibuf [dreg:s9], $0x2FFFF;
	_ =	strace $0x9FFFFFFF  }
0xc6: {  	(tm) =	ssettm $0x7FFFFFFF  }
0xc7: {  	_ =	shalt  }
tec
execute0_lowered:
.L_overlay_start_1:
0x0: {  	(tag) =	ssettag $0x1  }
0x1: {  	s4 =	rddreg [dreg:$0x0]  }
0x2: {  	s1 =	rddreg [dreg:$0x1]  }
0x3: {  	s5 =	rddreg [dreg:$0x2]  }
0x4: {  	s6 =	rddreg [dreg:$0x3]  }
0x5: {  	s3 =	srdreg.scid;
	s0 =	rddreg [dreg:$0x4];
	s2 =	simm.s32 $0x0  }
0x6: {  	s14 =	simm.s32 $0x1000;
	s15 =	simm.s32 $0x10000;
	s16 =	simm.s32 $0xA080  }
0x7: {  	s17 =	simm.s32 $0xC080;
	s7 =	sand.u32 $0x1, s3;
	[smem:$0x7FF] =	sst s2  }
0x8: {  	s3 =	stileid.u32;
	s8 =	ssub.s32 $0x2, s7;
	_ =	strace $0x80000047  }
0x9: {  	s29 =	sshll.u32 s7, $0x3;
	s7 =	sshll.u32 s7, $0xA;
	s30 =	sshll.u32 s3, $0xD  }
0xa: {  	s10 =	sshll.u32 s3, $0x7;
	s11 =	sshrl.u32 s3, $0x1;
	s12 =	sshll.u32 s3, $0x9  }
0xb: {  	s9 =	sshrl.u32 s8, $0x1;
	s18 =	sor.u32 $0xA000, s29;
	s4 =	sadd.s32 s4, s7  }
0xc: {  	s10 =	sand.u32 $0x380, s10;
	s13 =	sshll.u32 s11, $0xD;
	s12 =	sand.u32 $0x200, s12  }
0xd: {  	s11 =	sshll.u32 s11, $0x4;
	s7 =	sadd.s32 s5, s7;
	s8 =	ssub.s32 s8, s9  }
0xe: {  	s9 =	sand.u32 $0x10000, s30;
	s31 =	sshll.u32 s12, $0x3;
	s7 =	sadd.s32 s11, s7  }
0xf: {  	s11 =	simm.s32 $0x80;
	v1 =	vmov s18;
	s18 =	simm.s32 $0x0;
	s9 =	sadd.s32 s9, s6  }
0x10: {  	s6 =	sadd.s32 s13, s6;
	s7 =	sadd.s32 s12, s7;
	s8 =	smax.u32 s8, $0x1  }
0x11: {  	s12 =	simm.s32 $0x400;
	s13 =	simm.s32 $0x8000;
	s5 =	sadd.s32 s10, s9  }
0x12: {  	v0 =	vimm.f32 $-3.402823470e+38;
	s6 =	sadd.s32 s31, s6;
	s9 =	simm.s32 $0xA000;
	s10 =	simm.s32 $0x1  }
.LBB2_1:
0x13: {  	[tilespmem:s9], [sflag:$0x1] =	stream.linear.gather [hbm4b:s1+s2], $0x10, $0x38;
	[tilespmem:$0xE280] =	vst v63  }
0x14: {  	_ =	swait.ge [sflag:s10], $0x10  }
0x15: {  	[sflag:s10] =	ssyncset.done $0x0  }
0x16: {  	s19 =	simm.s32 $0x40;
	s20 =	simm.s32 $0x0;
	[sflag:s10] =	ssyncadd.s32 $0xFFFFFFF0  }
.LBB2_2:
0x17: {  	p0 =	sne.s32 s19, $0x7FC0;
	[tilespmem:s20+$0x8000] =	vst v0;
	s20 =	smov.u32 s19;
	s19 =	sadd.s32 $0x40, s19  }
.Ltmp0:
0x18: {  	(pc) =	sbr.rel @p0 .LBB2_2-.Ltmp0, $2  }
0x19: {  	_ =	sdelay $0x2  }
0x1a: {  	s20 =	sshra.s32 s20, $0x2  }
.Ltmp1:
0x1b: {  	(pc) =	sbr.rel .LBB2_4-.Ltmp1, $2  }
0x1c: {  	_ =	sdelay $0x2  }
0x1d: {  	[tilespmem:s20+$0x8000] =	vst v0;
	s19 =	simm.s32 $0x0  }
.LBB2_12:
0x1e: {  	s19 =	sadd.s32 $0x1, s19  }
0x1f: {  	p0 =	sne.s32 s19, $0x8  }
.Ltmp2:
0x20: {  	_ = 	snop;
	(pc) =	sbr.rel @!p0 .LBB2_13-.Ltmp2, $1  }
0x21: {  	_ =	sdelay $0x3  }
.LBB2_4:
0x22: {  	_ =	sdelay $0x3  }
0x23: {  	v2 =	vld.idx.msk [tilespmem:v1+s19+$0x0 ss:$0x1], $0xffff;
	_ =	sdelay $0x4  }
0x24: {  	(v2sf) =	vpush v2, $0x0;
	_ =	sdelay $0xa  }
.Ltmp3:
0x25: {  	_ = 	snop;
	(pc) =	sbr.rel .LBB2_5-.Ltmp3, $4  }
0x26: {  	s21 =	smul.u32 $0x3, s19;
	s22 =	sshll.u32 s19, $0xA  }
0x27: {  	s23 =	sshll.u32 s19, $0x4;
	s24 =	sand.u32 $0x3FFFFC00, s22  }
0x28: {  	s22 =	sadd.s32 s23, s4;
	s21 =	sadd.s32 s3, s21;
	s23 =	sadd.s32 $0x8000, s24  }
0x29: {  	s24 =	simm.s32 $0x0;
	s21 =	sand.u32 $0xF, s21;
	s20 =	spop (v2sf)  }
.LBB2_10:
0x2a: {  	v2 =	vld [tilespmem:s26+$0x0];
	s25 =	sadd.s32 $0x10, s25  }
0x2b: {  	v3 =	vld [tilespmem:s25+$0x0];
	s25 =	sor.u32 s31, s30  }
0x2c: {  	s28 =	sld [smem:$0x7E3];
	v4 =	vld [tilespmem:s25+$0x400]  }
0x2d: {  	s30 =	sld [smem:$0x7E4];
	v5 =	vld [tilespmem:s25+$0x800]  }
0x2e: {  	s31 =	sld [smem:$0x7E5];
	v6 =	vld [tilespmem:s25+$0xC00]  }
0x2f: {  	s29 =	sld [smem:$0x7E6];
	v7 =	vld [tilespmem:s25+$0x1000];
	p4 =	seq.s32 s28, $0x1  }
0x30: {  	v8 =	vld [tilespmem:s25+$0x1400];
	p5 =	seq.s32 s30, $0x1;
	s30 =	sld [smem:$0x7E7];
	v3 =	vpsel !p4, $0xFF7FFFFF, v3  }
0x31: {  	v4 =	vpsel !p5, $0xFF7FFFFF, v4;
	v2 =	vmax.f32 v2, v3;
	v3 =	vld [tilespmem:s25+$0x1800];
	p5 =	seq.s32 s31, $0x1;
	s31 =	sld [smem:$0x7E8]  }
0x32: {  	v41 =	vld [tilespmem:s25+$0x1C00];
	v5 =	vpsel !p5, $0xFF7FFFFF, v5;
	v2 =	vmax.f32 v2, v4;
	p5 =	seq.s32 s29, $0x1;
	s29 =	sld [smem:$0x7E9]  }
0x33: {  	v42 =	vld [tilespmem:s25+$0x2000];
	v6 =	vpsel !p5, $0xFF7FFFFF, v6;
	v2 =	vmax.f32 v2, v5;
	p5 =	seq.s32 s30, $0x1;
	s30 =	sld [smem:$0x7EA]  }
0x34: {  	v43 =	vld [tilespmem:s25+$0x2400];
	v7 =	vpsel !p5, $0xFF7FFFFF, v7;
	v2 =	vmax.f32 v2, v6;
	p5 =	seq.s32 s31, $0x1;
	s31 =	sld [smem:$0x7EB]  }
0x35: {  	v44 =	vld [tilespmem:s25+$0x2800];
	v8 =	vpsel !p5, $0xFF7FFFFF, v8;
	v2 =	vmax.f32 v2, v7;
	p5 =	seq.s32 s29, $0x1;
	s29 =	sld [smem:$0x7EC]  }
0x36: {  	v45 =	vld [tilespmem:s25+$0x2C00];
	v3 =	vpsel !p5, $0xFF7FFFFF, v3;
	v2 =	vmax.f32 v2, v8;
	p5 =	seq.s32 s30, $0x1;
	s30 =	sld [smem:$0x7ED]  }
0x37: {  	v4 =	vpsel !p5, $0xFF7FFFFF, v41;
	v2 =	vmax.f32 v2, v3;
	v3 =	vld [tilespmem:s25+$0x3000];
	p5 =	seq.s32 s31, $0x1;
	s31 =	sld [smem:$0x7EE]  }
0x38: {  	v46 =	vld [tilespmem:s25+$0x3400];
	v5 =	vpsel !p5, $0xFF7FFFFF, v42;
	v2 =	vmax.f32 v2, v4;
	p5 =	seq.s32 s29, $0x1;
	s29 =	sld [smem:$0x7EF]  }
0x39: {  	v47 =	vld [tilespmem:s25+$0x3800];
	v6 =	vpsel !p5, $0xFF7FFFFF, v43;
	v2 =	vmax.f32 v2, v5;
	p5 =	seq.s32 s30, $0x1;
	s30 =	sld [smem:$0x7F0]  }
0x3a: {  	v48 =	vld [tilespmem:s25+$0x3C00];
	v7 =	vpsel !p5, $0xFF7FFFFF, v44;
	v2 =	vmax.f32 v2, v6;
	p5 =	seq.s32 s31, $0x1;
	s31 =	sld [smem:$0x7F1]  }
0x3b: {  	v49 =	vld [tilespmem:s25+$0x4000];
	v8 =	vpsel !p5, $0xFF7FFFFF, v45;
	v2 =	vmax.f32 v2, v7;
	p5 =	seq.s32 s29, $0x1;
	s29 =	sld [smem:$0x7F2]  }
0x3c: {  	v50 =	vld [tilespmem:s25+$0x4400];
	v3 =	vpsel !p5, $0xFF7FFFFF, v3;
	v2 =	vmax.f32 v2, v8;
	p5 =	seq.s32 s30, $0x1;
	s30 =	sld [smem:$0x7F3]  }
0x3d: {  	v4 =	vpsel !p5, $0xFF7FFFFF, v46;
	v2 =	vmax.f32 v2, v3;
	v3 =	vld [tilespmem:s25+$0x4800];
	p5 =	seq.s32 s31, $0x1;
	s31 =	sld [smem:$0x7F4]  }
0x3e: {  	v51 =	vld [tilespmem:s25+$0x4C00];
	v5 =	vpsel !p5, $0xFF7FFFFF, v47;
	v2 =	vmax.f32 v2, v4;
	p5 =	seq.s32 s29, $0x1;
	s29 =	sld [smem:$0x7F5]  }
0x3f: {  	v52 =	vld [tilespmem:s25+$0x5000];
	v6 =	vpsel !p5, $0xFF7FFFFF, v48;
	v2 =	vmax.f32 v2, v5;
	p5 =	seq.s32 s30, $0x1;
	s30 =	sld [smem:$0x7F6]  }
0x40: {  	v53 =	vld [tilespmem:s25+$0x5400];
	v7 =	vpsel !p5, $0xFF7FFFFF, v49;
	v2 =	vmax.f32 v2, v6;
	p5 =	seq.s32 s31, $0x1;
	s31 =	sld [smem:$0x7F7]  }
0x41: {  	v54 =	vld [tilespmem:s25+$0x5800];
	v8 =	vpsel !p5, $0xFF7FFFFF, v50;
	v2 =	vmax.f32 v2, v7;
	p5 =	seq.s32 s29, $0x1;
	s29 =	sld [smem:$0x7F8]  }
0x42: {  	v55 =	vld [tilespmem:s25+$0x5C00];
	v3 =	vpsel !p5, $0xFF7FFFFF, v3;
	v2 =	vmax.f32 v2, v8;
	p5 =	seq.s32 s30, $0x1;
	s30 =	sld [smem:$0x7F9]  }
0x43: {  	v4 =	vpsel !p5, $0xFF7FFFFF, v51;
	v2 =	vmax.f32 v2, v3;
	v3 =	vld [tilespmem:s25+$0x6000];
	p5 =	seq.s32 s31, $0x1;
	s31 =	sld [smem:$0x7FA]  }
0x44: {  	v56 =	vld [tilespmem:s25+$0x6400];
	v5 =	vpsel !p5, $0xFF7FFFFF, v52;
	v2 =	vmax.f32 v2, v4;
	p5 =	seq.s32 s29, $0x1;
	s29 =	sld [smem:$0x7FB]  }
0x45: {  	v57 =	vld [tilespmem:s25+$0x6800];
	v6 =	vpsel !p5, $0xFF7FFFFF, v53;
	v2 =	vmax.f32 v2, v5;
	p5 =	seq.s32 s30, $0x1;
	s30 =	sld [smem:$0x7FC]  }
0x46: {  	v58 =	vld [tilespmem:s25+$0x6C00];
	v7 =	vpsel !p5, $0xFF7FFFFF, v54;
	v2 =	vmax.f32 v2, v6;
	p5 =	seq.s32 s31, $0x1;
	s31 =	sld [smem:$0x7FD]  }
0x47: {  	v59 =	vld [tilespmem:s25+$0x7000];
	v8 =	vpsel !p5, $0xFF7FFFFF, v55;
	v2 =	vmax.f32 v2, v7;
	p5 =	seq.s32 s29, $0x1  }
0x48: {  	v60 =	vld [tilespmem:s25+$0x7400];
	v3 =	vpsel !p5, $0xFF7FFFFF, v3;
	v2 =	vmax.f32 v2, v8;
	p5 =	seq.s32 s30, $0x1  }
0x49: {  	v4 =	vpsel !p5, $0xFF7FFFFF, v56;
	v2 =	vmax.f32 v2, v3;
	v3 =	vld [tilespmem:s25+$0x7800];
	p5 =	seq.s32 s31, $0x1  }
0x4a: {  	v61 =	vld [tilespmem:s25+$0x7C00];
	v5 =	vpsel !p5, $0xFF7FFFFF, v57;
	v2 =	vmax.f32 v2, v4  }
0x4b: {  	v6 =	vpsel !p1, $0xFF7FFFFF, v58;
	v2 =	vmax.f32 v2, v5  }
0x4c: {  	v62 =	vpsel !p0, $0xFF7FFFFF, v59;
	v2 =	vmax.f32 v2, v6  }
0x4d: {  	v63 =	vpsel !p2, $0xFF7FFFFF, v60;
	v2 =	vmax.f32 v2, v62  }
0x4e: {  	v3 =	vpsel !p6, $0xFF7FFFFF, v3;
	v2 =	vmax.f32 v2, v63  }
0x4f: {  	v4 =	vpsel !p3, $0xFF7FFFFF, v61;
	v2 =	vmax.f32 v2, v3  }
0x50: {  	v2 =	vmax.f32 v2, v4  }
0x51: {  	[tilespmem:s26+$0x0] =	vst v2  }
.LBB2_11:
0x52: {  	s24 =	sadd.s32 $0x1, s24  }
0x53: {  	p0 =	sne.s32 s24, $0x4  }
.Ltmp4:
0x54: {  	_ = 	snop;
	(pc) =	sbr.rel @!p0 .LBB2_12-.Ltmp4, $1  }
0x55: {  	_ =	sdelay $0x3  }
.LBB2_5:
0x56: {  	s25 =	sshll.u32 s24, $0x4  }
0x57: {  	s25 =	sor.u32 s21, s25  }
0x58: {  	s26 =	sshll.u32 s25, $0x5  }
0x59: {  	p0 =	sle.s32 s20, s26  }
.Ltmp5:
0x5a: {  	_ = 	snop;
	(pc) =	sbr.rel @p0 .LBB2_11-.Ltmp5, $1  }
0x5b: {  	_ =	sdelay $0x3  }
0x5c: {  	s25 =	sshll.u32 s25, $0x10  }
0x5d: {  	s28 =	simm.s32 $0x0;
	s25 =	sadd.s32 s25, s22  }
0x5e: {  	s29 =	simm.s32 $0x800;
	s30 =	simm.s32 $0x400;
	s31 =	sadd.s32 $0x0, s25  }
.LBB2_7:
0x5f: {  	[tilespmem:s28], [sflag:$0x1] =	stream.strided.gather [hbm4b:s31+s11], $0x400, s12, s11, $0x38;
	[tilespmem:$0xE280] =	vst v63  }
0x60: {  	s31 =	smov.u32 s29;
	s28 =	smov.u32 s30;
	p0 =	sne.s32 s29, $0xF800  }
.Ltmp6:
0x61: {  	s29 =	sadd.s32 $0x800, s29;
	(pc) =	sbr.rel @p0 .LBB2_7-.Ltmp6, $2  }
0x62: {  	_ =	sdelay $0x2  }
0x63: {  	s30 =	sadd.s32 $0x400, s30;
	s31 =	sadd.s32 s31, s25  }
0x64: {  	[tilespmem:s28], [sflag:$0x1] =	stream.strided.gather [hbm4b:s31+s11], $0x400, s12, s11, $0x38;
	[tilespmem:$0xE280] =	vst v63  }
0x65: {  	s25 =	simm.s32 $0x0;
	_ =	swait.ge [sflag:s10], $0x8000  }
0x66: {  	s28 =	sand.u32 $0x380, s25;
	[sflag:s10] =	ssyncset.done $0x0  }
0x67: {  	s30 =	sand.u32 $0x70, s25;
	s29 =	sadd.s32 s28, s23;
	[sflag:s10] =	ssyncadd.s32 $0xFFFF8000  }
0x68: {  	s26 =	ssub.s32 s20, s26;
	s29 =	sadd.s32 s30, s29;
	v3 =	vld [tilespmem:s25+$0x0]  }
0x69: {  	p0 =	sgt.s32 s26, $0x0;
	s28 =	sor.u32 s30, s28;
	v2 =	vld [tilespmem:s29+$0x0]  }
0x6a: {  	s30 =	simm.s32 @!p0 $0x0;
	v4 =	vld [tilespmem:s28+$0x400]  }
0x6b: {  	p1 =	sgt.s32 s26, $0x1;
	s30 =	simm.s32 @p0 $0x1  }
0x6c: {  	v5 =	vld [tilespmem:s28+$0x800];
	[smem:$0x7E3] =	sst s30;
	s30 =	simm.s32 @!p1 $0x0  }
0x6d: {  	s30 =	simm.s32 @p1 $0x1;
	v3 =	vpsel !p0, $0xFF7FFFFF, v3;
	p0 =	sgt.s32 s26, $0x2  }
0x6e: {  	v6 =	vld [tilespmem:s28+$0xC00];
	[smem:$0x7E4] =	sst s30;
	s30 =	simm.s32 @!p0 $0x0  }
0x6f: {  	v2 =	vmax.f32 v2, v3;
	v3 =	vpsel !p1, $0xFF7FFFFF, v4;
	p1 =	sgt.s32 s26, $0x3;
	s30 =	simm.s32 @p0 $0x1  }
0x70: {  	v7 =	vld [tilespmem:s28+$0x1000];
	[smem:$0x7E5] =	sst s30;
	s30 =	simm.s32 @!p1 $0x0  }
0x71: {  	v8 =	vld [tilespmem:s28+$0x1400];
	v2 =	vmax.f32 v2, v3;
	v3 =	vpsel !p0, $0xFF7FFFFF, v5;
	p0 =	sgt.s32 s26, $0x4;
	s30 =	simm.s32 @p1 $0x1  }
0x72: {  	v38 =	vld [tilespmem:s28+$0x1800];
	[smem:$0x7E6] =	sst s30;
	s30 =	simm.s32 @!p0 $0x0  }
0x73: {  	v2 =	vmax.f32 v2, v3;
	v3 =	vpsel !p1, $0xFF7FFFFF, v6;
	p1 =	sgt.s32 s26, $0x5;
	s30 =	simm.s32 @p0 $0x1  }
0x74: {  	v39 =	vld [tilespmem:s28+$0x1C00];
	[smem:$0x7E7] =	sst s30;
	s30 =	simm.s32 @!p1 $0x0  }
0x75: {  	v2 =	vmax.f32 v2, v3;
	v3 =	vpsel !p0, $0xFF7FFFFF, v7;
	p0 =	sgt.s32 s26, $0x6;
	s30 =	simm.s32 @p1 $0x1  }
0x76: {  	v40 =	vld [tilespmem:s28+$0x2000];
	v2 =	vmax.f32 v2, v3;
	v3 =	vpsel !p1, $0xFF7FFFFF, v8;
	[smem:$0x7E8] =	sst s30;
	s30 =	simm.s32 @!p0 $0x0  }
0x77: {  	v2 =	vmax.f32 v2, v3;
	v3 =	vpsel !p0, $0xFF7FFFFF, v38;
	s30 =	simm.s32 @p0 $0x1;
	p0 =	sgt.s32 s26, $0x7  }
0x78: {  	v41 =	vld [tilespmem:s28+$0x2400];
	[smem:$0x7E9] =	sst s30;
	s30 =	simm.s32 @!p0 $0x0  }
0x79: {  	v2 =	vmax.f32 v2, v3;
	v3 =	vpsel !p0, $0xFF7FFFFF, v39;
	s30 =	simm.s32 @p0 $0x1;
	p0 =	sgt.s32 s26, $0x8  }
0x7a: {  	v42 =	vld [tilespmem:s28+$0x2800];
	[smem:$0x7EA] =	sst s30;
	s30 =	simm.s32 @!p0 $0x0  }
0x7b: {  	v2 =	vmax.f32 v2, v3;
	v3 =	vpsel !p0, $0xFF7FFFFF, v40;
	s30 =	simm.s32 @p0 $0x1;
	p0 =	sgt.s32 s26, $0x9  }
0x7c: {  	v43 =	vld [tilespmem:s28+$0x2C00];
	[smem:$0x7EB] =	sst s30;
	s30 =	simm.s32 @!p0 $0x0  }
0x7d: {  	v2 =	vmax.f32 v2, v3;
	v3 =	vpsel !p0, $0xFF7FFFFF, v41;
	s30 =	simm.s32 @p0 $0x1;
	p0 =	sgt.s32 s26, $0xA  }
0x7e: {  	v44 =	vld [tilespmem:s28+$0x3000];
	[smem:$0x7EC] =	sst s30;
	s30 =	simm.s32 @!p0 $0x0  }
0x7f: {  	v2 =	vmax.f32 v2, v3;
	v3 =	vpsel !p0, $0xFF7FFFFF, v42;
	s30 =	simm.s32 @p0 $0x1;
	p0 =	sgt.s32 s26, $0xB  }
0x80: {  	v45 =	vld [tilespmem:s28+$0x3400];
	[smem:$0x7ED] =	sst s30;
	s30 =	simm.s32 @!p0 $0x0  }
0x81: {  	v2 =	vmax.f32 v2, v3;
	v3 =	vpsel !p0, $0xFF7FFFFF, v43;
	s30 =	simm.s32 @p0 $0x1;
	p0 =	sgt.s32 s26, $0xC  }
0x82: {  	v46 =	vld [tilespmem:s28+$0x3800];
	[smem:$0x7EE] =	sst s30;
	s30 =	simm.s32 @!p0 $0x0  }
0x83: {  	v2 =	vmax.f32 v2, v3;
	v3 =	vpsel !p0, $0xFF7FFFFF, v44;
	s30 =	simm.s32 @p0 $0x1;
	p0 =	sgt.s32 s26, $0xD  }
0x84: {  	v47 =	vld [tilespmem:s28+$0x3C00];
	[smem:$0x7EF] =	sst s30;
	s30 =	simm.s32 @!p0 $0x0  }
0x85: {  	v2 =	vmax.f32 v2, v3;
	v3 =	vpsel !p0, $0xFF7FFFFF, v45;
	s30 =	simm.s32 @p0 $0x1;
	p0 =	sgt.s32 s26, $0xE  }
0x86: {  	v48 =	vld [tilespmem:s28+$0x4000];
	[smem:$0x7F0] =	sst s30;
	s30 =	simm.s32 @!p0 $0x0  }
0x87: {  	v2 =	vmax.f32 v2, v3;
	v3 =	vpsel !p0, $0xFF7FFFFF, v46;
	s30 =	simm.s32 @p0 $0x1;
	p0 =	sgt.s32 s26, $0xF  }
0x88: {  	v49 =	vld [tilespmem:s28+$0x4400];
	[smem:$0x7F1] =	sst s30;
	s30 =	simm.s32 @!p0 $0x0  }
0x89: {  	v2 =	vmax.f32 v2, v3;
	v3 =	vpsel !p0, $0xFF7FFFFF, v47;
	s30 =	simm.s32 @p0 $0x1;
	p0 =	sgt.s32 s26, $0x10  }
0x8a: {  	v50 =	vld [tilespmem:s28+$0x4800];
	[smem:$0x7F2] =	sst s30;
	s30 =	simm.s32 @!p0 $0x0  }
0x8b: {  	v2 =	vmax.f32 v2, v3;
	v3 =	vpsel !p0, $0xFF7FFFFF, v48;
	s30 =	simm.s32 @p0 $0x1;
	p0 =	sgt.s32 s26, $0x11  }
0x8c: {  	v51 =	vld [tilespmem:s28+$0x4C00];
	[smem:$0x7F3] =	sst s30;
	s30 =	simm.s32 @!p0 $0x0  }
0x8d: {  	v2 =	vmax.f32 v2, v3;
	v3 =	vpsel !p0, $0xFF7FFFFF, v49;
	s30 =	simm.s32 @p0 $0x1;
	p0 =	sgt.s32 s26, $0x12  }
0x8e: {  	v52 =	vld [tilespmem:s28+$0x5000];
	[smem:$0x7F4] =	sst s30;
	s30 =	simm.s32 @!p0 $0x0  }
0x8f: {  	v2 =	vmax.f32 v2, v3;
	v3 =	vpsel !p0, $0xFF7FFFFF, v50;
	s30 =	simm.s32 @p0 $0x1;
	p0 =	sgt.s32 s26, $0x13  }
0x90: {  	v53 =	vld [tilespmem:s28+$0x5400];
	[smem:$0x7F5] =	sst s30;
	s30 =	simm.s32 @!p0 $0x0  }
0x91: {  	v2 =	vmax.f32 v2, v3;
	v3 =	vpsel !p0, $0xFF7FFFFF, v51;
	s30 =	simm.s32 @p0 $0x1;
	p0 =	sgt.s32 s26, $0x14  }
0x92: {  	v54 =	vld [tilespmem:s28+$0x5800];
	[smem:$0x7F6] =	sst s30;
	s30 =	simm.s32 @!p0 $0x0  }
0x93: {  	v2 =	vmax.f32 v2, v3;
	v3 =	vpsel !p0, $0xFF7FFFFF, v52;
	s30 =	simm.s32 @p0 $0x1;
	p0 =	sgt.s32 s26, $0x15  }
0x94: {  	v55 =	vld [tilespmem:s28+$0x5C00];
	[smem:$0x7F7] =	sst s30;
	s30 =	simm.s32 @!p0 $0x0  }
0x95: {  	v2 =	vmax.f32 v2, v3;
	v3 =	vpsel !p0, $0xFF7FFFFF, v53;
	s30 =	simm.s32 @p0 $0x1;
	p0 =	sgt.s32 s26, $0x16  }
0x96: {  	[smem:$0x7F8] =	sst s30;
	s30 =	simm.s32 @!p0 $0x0  }
0x97: {  	v56 =	vld [tilespmem:s28+$0x6000];
	v2 =	vmax.f32 v2, v3;
	v3 =	vpsel !p0, $0xFF7FFFFF, v54;
	s30 =	simm.s32 @p0 $0x1;
	p0 =	sgt.s32 s26, $0x17  }
0x98: {  	v57 =	vld [tilespmem:s28+$0x6400];
	[smem:$0x7F9] =	sst s30;
	s30 =	simm.s32 @!p0 $0x0  }
0x99: {  	v58 =	vld [tilespmem:s28+$0x6800];
	v2 =	vmax.f32 v2, v3;
	v3 =	vpsel !p0, $0xFF7FFFFF, v55;
	s30 =	simm.s32 @p0 $0x1;
	p0 =	sgt.s32 s26, $0x18  }
0x9a: {  	v59 =	vld [tilespmem:s28+$0x6C00];
	[smem:$0x7FA] =	sst s30;
	s30 =	simm.s32 @!p0 $0x0  }
0x9b: {  	v60 =	vld [tilespmem:s28+$0x7000];
	p1 =	sgt.s32 s26, $0x19;
	s30 =	simm.s32 @p0 $0x1  }
0x9c: {  	v61 =	vld [tilespmem:s28+$0x7400];
	v2 =	vmax.f32 v2, v3;
	v3 =	vpsel !p0, $0xFF7FFFFF, v56;
	[smem:$0x7FB] =	sst s30;
	s30 =	simm.s32 @!p1 $0x0  }
0x9d: {  	v62 =	vld [tilespmem:s28+$0x7800];
	v2 =	vmax.f32 v2, v3;
	v3 =	vpsel !p1, $0xFF7FFFFF, v57;
	s30 =	simm.s32 @p1 $0x1;
	p1 =	sgt.s32 s26, $0x1A  }
0x9e: {  	p2 =	sgt.s32 s26, $0x1B;
	v63 =	vld [tilespmem:s28+$0x7C00];
	v2 =	vmax.f32 v2, v3;
	v3 =	vpsel !p1, $0xFF7FFFFF, v58  }
0x9f: {  	p4 =	sgt.s32 s26, $0x1C;
	v2 =	vmax.f32 v2, v3;
	v3 =	vpsel !p2, $0xFF7FFFFF, v59  }
0xa0: {  	p3 =	sgt.s32 s26, $0x1D;
	[smem:$0x7FC] =	sst s30;
	s30 =	simm.s32 @!p1 $0x0;
	v2 =	vmax.f32 v2, v3;
	v3 =	vpsel !p4, $0xFF7FFFFF, v60  }
0xa1: {  	p5 =	sgt.s32 s26, $0x1E;
	s28 =	simm.s32 $0x10;
	s30 =	simm.s32 @p1 $0x1;
	v2 =	vmax.f32 v2, v3;
	v3 =	vpsel !p3, $0xFF7FFFFF, v61  }
0xa2: {  	p1 =	por p2, p2;
	p2 =	por p3, p3;
	p3 =	sgt.s32 s26, $0x1F;
	v2 =	vmax.f32 v2, v3;
	v3 =	vpsel !p5, $0xFF7FFFFF, v62  }
0xa3: {  	[smem:$0x7FD] =	sst s30;
	s30 =	sand.u32 $0x380, s28;
	v2 =	vmax.f32 v2, v3;
	v3 =	vpsel !p3, $0xFF7FFFFF, v63  }
0xa4: {  	p6 =	por p5, p5;
	s31 =	sand.u32 $0x70, s28;
	s26 =	sadd.s32 s30, s23;
	v2 =	vmax.f32 v2, v3  }
0xa5: {  	p0 =	por p4, p4;
	s28 =	simm.s32 $0x20;
	s26 =	sadd.s32 s31, s26;
	[tilespmem:s29+$0x0] =	vst v2  }
.LBB2_9:
0xa6: {  	s25 =	sadd.s32 $0x10, s25;
	s29 =	sor.u32 s31, s30;
	s30 =	sld [smem:$0x7E3]  }
0xa7: {  	v3 =	vld [tilespmem:s25+$0x0];
	_ =	sdelay $0x1  }
0xa8: {  	v2 =	vld [tilespmem:s26+$0x0];
	p5 =	seq.s32 s30, $0x1;
	s30 =	sld [smem:$0x7E4]  }
0xa9: {  	v4 =	vld [tilespmem:s29+$0x400];
	_ =	sdelay $0x1  }
0xaa: {  	v3 =	vpsel !p5, $0xFF7FFFFF, v3;
	p5 =	seq.s32 s30, $0x1;
	s30 =	sld [smem:$0x7E5]  }
0xab: {  	v5 =	vld [tilespmem:s29+$0x800];
	_ =	sdelay $0x1  }
0xac: {  	v2 =	vmax.f32 v2, v3;
	v3 =	vpsel !p5, $0xFF7FFFFF, v4;
	p5 =	seq.s32 s30, $0x1;
	s30 =	sld [smem:$0x7E6]  }
0xad: {  	v6 =	vld [tilespmem:s29+$0xC00];
	_ =	sdelay $0x1  }
0xae: {  	v2 =	vmax.f32 v2, v3;
	v3 =	vpsel !p5, $0xFF7FFFFF, v5;
	p5 =	seq.s32 s30, $0x1;
	s30 =	sld [smem:$0x7E7]  }
0xaf: {  	v7 =	vld [tilespmem:s29+$0x1000];
	_ =	sdelay $0x1  }
0xb0: {  	v2 =	vmax.f32 v2, v3;
	v3 =	vpsel !p5, $0xFF7FFFFF, v6;
	p5 =	seq.s32 s30, $0x1;
	s30 =	sld [smem:$0x7E8]  }
0xb1: {  	v8 =	vld [tilespmem:s29+$0x1400];
	_ =	sdelay $0x1  }
0xb2: {  	v2 =	vmax.f32 v2, v3;
	v3 =	vpsel !p5, $0xFF7FFFFF, v7;
	p5 =	seq.s32 s30, $0x1;
	s30 =	sld [smem:$0x7E9]  }
0xb3: {  	v38 =	vld [tilespmem:s29+$0x1800];
	_ =	sdelay $0x1  }
0xb4: {  	v2 =	vmax.f32 v2, v3;
	v3 =	vpsel !p5, $0xFF7FFFFF, v8;
	p5 =	seq.s32 s30, $0x1;
	s30 =	sld [smem:$0x7EA]  }
0xb5: {  	v39 =	vld [tilespmem:s29+$0x1C00];
	_ =	sdelay $0x1  }
0xb6: {  	v2 =	vmax.f32 v2, v3;
	v3 =	vpsel !p5, $0xFF7FFFFF, v38;
	p5 =	seq.s32 s30, $0x1;
	s30 =	sld [smem:$0x7EB]  }
0xb7: {  	v40 =	vld [tilespmem:s29+$0x2000];
	_ =	sdelay $0x1  }
0xb8: {  	v2 =	vmax.f32 v2, v3;
	v3 =	vpsel !p5, $0xFF7FFFFF, v39;
	p5 =	seq.s32 s30, $0x1;
	s30 =	sld [smem:$0x7EC]  }
0xb9: {  	v41 =	vld [tilespmem:s29+$0x2400];
	_ =	sdelay $0x1  }
0xba: {  	v2 =	vmax.f32 v2, v3;
	v3 =	vpsel !p5, $0xFF7FFFFF, v40;
	p5 =	seq.s32 s30, $0x1;
	s30 =	sld [smem:$0x7ED]  }
0xbb: {  	v42 =	vld [tilespmem:s29+$0x2800];
	_ =	sdelay $0x1  }
0xbc: {  	v2 =	vmax.f32 v2, v3;
	v3 =	vpsel !p5, $0xFF7FFFFF, v41;
	p5 =	seq.s32 s30, $0x1;
	s30 =	sld [smem:$0x7EE]  }
0xbd: {  	v43 =	vld [tilespmem:s29+$0x2C00];
	_ =	sdelay $0x1  }
0xbe: {  	v2 =	vmax.f32 v2, v3;
	v3 =	vpsel !p5, $0xFF7FFFFF, v42;
	p5 =	seq.s32 s30, $0x1;
	s30 =	sld [smem:$0x7EF]  }
0xbf: {  	v44 =	vld [tilespmem:s29+$0x3000];
	_ =	sdelay $0x1  }
0xc0: {  	v2 =	vmax.f32 v2, v3;
	v3 =	vpsel !p5, $0xFF7FFFFF, v43;
	p5 =	seq.s32 s30, $0x1;
	s30 =	sld [smem:$0x7F0]  }
0xc1: {  	v45 =	vld [tilespmem:s29+$0x3400];
	_ =	sdelay $0x1  }
0xc2: {  	v2 =	vmax.f32 v2, v3;
	v3 =	vpsel !p5, $0xFF7FFFFF, v44;
	p5 =	seq.s32 s30, $0x1;
	s30 =	sld [smem:$0x7F1]  }
0xc3: {  	v46 =	vld [tilespmem:s29+$0x3800];
	_ =	sdelay $0x1  }
0xc4: {  	v2 =	vmax.f32 v2, v3;
	v3 =	vpsel !p5, $0xFF7FFFFF, v45;
	p5 =	seq.s32 s30, $0x1;
	s30 =	sld [smem:$0x7F2]  }
0xc5: {  	v47 =	vld [tilespmem:s29+$0x3C00];
	_ =	sdelay $0x1  }
0xc6: {  	v2 =	vmax.f32 v2, v3;
	v3 =	vpsel !p5, $0xFF7FFFFF, v46;
	p5 =	seq.s32 s30, $0x1;
	s30 =	sld [smem:$0x7F3]  }
0xc7: {  	v48 =	vld [tilespmem:s29+$0x4000];
	_ =	sdelay $0x1  }
0xc8: {  	v2 =	vmax.f32 v2, v3;
	v3 =	vpsel !p5, $0xFF7FFFFF, v47;
	p5 =	seq.s32 s30, $0x1;
	s30 =	sld [smem:$0x7F4]  }
0xc9: {  	v49 =	vld [tilespmem:s29+$0x4400];
	_ =	sdelay $0x1  }
0xca: {  	v2 =	vmax.f32 v2, v3;
	v3 =	vpsel !p5, $0xFF7FFFFF, v48;
	p5 =	seq.s32 s30, $0x1;
	s30 =	sld [smem:$0x7F5]  }
0xcb: {  	v50 =	vld [tilespmem:s29+$0x4800];
	_ =	sdelay $0x1  }
0xcc: {  	v2 =	vmax.f32 v2, v3;
	v3 =	vpsel !p5, $0xFF7FFFFF, v49;
	p5 =	seq.s32 s30, $0x1;
	s30 =	sld [smem:$0x7F6]  }
0xcd: {  	v51 =	vld [tilespmem:s29+$0x4C00];
	_ =	sdelay $0x1  }
0xce: {  	v2 =	vmax.f32 v2, v3;
	v3 =	vpsel !p5, $0xFF7FFFFF, v50;
	p5 =	seq.s32 s30, $0x1;
	s30 =	sld [smem:$0x7F7]  }
0xcf: {  	v52 =	vld [tilespmem:s29+$0x5000];
	_ =	sdelay $0x1  }
0xd0: {  	v2 =	vmax.f32 v2, v3;
	v3 =	vpsel !p5, $0xFF7FFFFF, v51;
	p5 =	seq.s32 s30, $0x1;
	s30 =	sld [smem:$0x7F8]  }
0xd1: {  	v53 =	vld [tilespmem:s29+$0x5400];
	_ =	sdelay $0x1  }
0xd2: {  	v2 =	vmax.f32 v2, v3;
	v3 =	vpsel !p5, $0xFF7FFFFF, v52;
	p5 =	seq.s32 s30, $0x1;
	s30 =	sld [smem:$0x7F9]  }
0xd3: {  	v54 =	vld [tilespmem:s29+$0x5800];
	_ =	sdelay $0x1  }
0xd4: {  	v2 =	vmax.f32 v2, v3;
	v3 =	vpsel !p5, $0xFF7FFFFF, v53;
	p5 =	seq.s32 s30, $0x1;
	s30 =	sld [smem:$0x7FA]  }
0xd5: {  	v55 =	vld [tilespmem:s29+$0x5C00];
	_ =	sdelay $0x1  }
0xd6: {  	v2 =	vmax.f32 v2, v3;
	v3 =	vpsel !p5, $0xFF7FFFFF, v54;
	p5 =	seq.s32 s30, $0x1;
	s30 =	sld [smem:$0x7FB]  }
0xd7: {  	v56 =	vld [tilespmem:s29+$0x6000];
	_ =	sdelay $0x1  }
0xd8: {  	v2 =	vmax.f32 v2, v3;
	v3 =	vpsel !p5, $0xFF7FFFFF, v55;
	p5 =	seq.s32 s30, $0x1;
	s30 =	sld [smem:$0x7FC]  }
0xd9: {  	v57 =	vld [tilespmem:s29+$0x6400]  }
0xda: {  	v58 =	vld [tilespmem:s29+$0x6800]  }
0xdb: {  	v59 =	vld [tilespmem:s29+$0x6C00];
	v2 =	vmax.f32 v2, v3;
	v3 =	vpsel !p5, $0xFF7FFFFF, v56;
	p5 =	seq.s32 s30, $0x1;
	s30 =	sld [smem:$0x7FD]  }
0xdc: {  	v60 =	vld [tilespmem:s29+$0x7000]  }
0xdd: {  	v61 =	vld [tilespmem:s29+$0x7400]  }
0xde: {  	v62 =	vld [tilespmem:s29+$0x7800];
	v2 =	vmax.f32 v2, v3;
	v3 =	vpsel !p5, $0xFF7FFFFF, v57;
	p5 =	seq.s32 s30, $0x1  }
0xdf: {  	v63 =	vld [tilespmem:s29+$0x7C00];
	v2 =	vmax.f32 v2, v3;
	v3 =	vpsel !p5, $0xFF7FFFFF, v58  }
0xe0: {  	v2 =	vmax.f32 v2, v3;
	v3 =	vpsel !p1, $0xFF7FFFFF, v59  }
0xe1: {  	p4 =	sne.s32 s28, $0x3F0;
	v2 =	vmax.f32 v2, v3;
	v3 =	vpsel !p0, $0xFF7FFFFF, v60  }
.Ltmp7:
0xe2: {  	v2 =	vmax.f32 v2, v3;
	v3 =	vpsel !p2, $0xFF7FFFFF, v61;
	(pc) =	sbr.rel @p4 .LBB2_9-.Ltmp7, $4  }
0xe3: {  	v2 =	vmax.f32 v2, v3;
	v3 =	vpsel !p6, $0xFF7FFFFF, v62  }
0xe4: {  	s30 =	sand.u32 $0x380, s28;
	v2 =	vmax.f32 v2, v3;
	v3 =	vpsel !p3, $0xFF7FFFFF, v63  }
0xe5: {  	s31 =	sand.u32 $0x70, s28;
	s29 =	sadd.s32 s30, s23;
	v2 =	vmax.f32 v2, v3  }
0xe6: {  	s28 =	sadd.s32 $0x10, s28;
	[tilespmem:s26+$0x0] =	vst v2;
	s26 =	sadd.s32 s31, s29  }
.Ltmp8:
0xe7: {  	_ = 	snop;
	(pc) =	sbr.rel .LBB2_10-.Ltmp8, $1  }
0xe8: {  	_ =	sdelay $0x3  }
.LBB2_13:
0xe9: {  	[spmem:s5] =	stream.strided.scatter [tilespmem:s13], [sflag:$0x1], $0x2000, s12, s11, $0x38;
	[tilespmem:$0xE280] =	vst v63  }
0xea: {  	_ =	swait.ge [sflag:s10], $0x2000  }
0xeb: {  	[sflag:s10] =	ssyncset.done $0x0  }
0xec: {  	[sflag:s10] =	ssyncadd.s32 $0xFFFFE000  }
0xed: {  	[bflag:$0x0] =	sbarrier.arrive $0xFFFF  }
0xee: {  	[tilespmem:s16], [sflag:$0x1] =	stream.strided.gather [spmem:s6], $0x2000, s15, s14, $0x38;
	[tilespmem:$0xE280] =	vst v63  }
0xef: {  	s19 =	simm.s32 $0x0;
	_ =	swait.ge [sflag:s10], $0x2000  }
0xf0: {  	s20 =	sand.u32 $0x70, s19;
	s19 =	sand.u32 $0xC00, s19;
	[sflag:s10] =	ssyncset.done $0x0  }
0xf1: {  	s19 =	sor.u32 s20, s19;
	[sflag:s10] =	ssyncadd.s32 $0xFFFFE000  }
0xf2: {  	v2 =	vld [tilespmem:s19+$0xA100]  }
0xf3: {  	v3 =	vld [tilespmem:s19+$0xA080]  }
0xf4: {  	v4 =	vld [tilespmem:s19+$0xA180]  }
0xf5: {  	v5 =	vld [tilespmem:s19+$0xA200]  }
0xf6: {  	v6 =	vld [tilespmem:s19+$0xA280]  }
0xf7: {  	v7 =	vld [tilespmem:s19+$0xA300]  }
0xf8: {  	v2 =	vmax.f32 v3, v2;
	v3 =	vld [tilespmem:s19+$0xA380]  }
0xf9: {  	v56 =	vld [tilespmem:s19+$0xA400];
	v2 =	vmax.f32 v2, v4  }
0xfa: {  	v57 =	vld [tilespmem:s19+$0xB080];
	v2 =	vmax.f32 v2, v5  }
0xfb: {  	v58 =	vld [tilespmem:s19+$0xB100];
	v2 =	vmax.f32 v2, v6  }
0xfc: {  	v59 =	vld [tilespmem:s19+$0xB180];
	v2 =	vmax.f32 v2, v7  }
0xfd: {  	v2 =	vmax.f32 v2, v3;
	v3 =	vld [tilespmem:s19+$0xB200]  }
0xfe: {  	v60 =	vld [tilespmem:s19+$0xB280];
	v2 =	vmax.f32 v2, v56  }
0xff: {  	v61 =	vld [tilespmem:s19+$0xB300];
	v2 =	vmax.f32 v2, v57  }
0x100: {  	v62 =	vld [tilespmem:s19+$0xB380];
	v2 =	vmax.f32 v2, v58  }
0x101: {  	v63 =	vld [tilespmem:s19+$0xB400];
	v2 =	vmax.f32 v2, v59  }
0x102: {  	v2 =	vmax.f32 v2, v3  }
0x103: {  	v2 =	vmax.f32 v2, v60  }
0x104: {  	v2 =	vmax.f32 v2, v61  }
0x105: {  	s31 =	simm.s32 $0x10;
	s21 =	simm.s32 $0x80;
	v2 =	vmax.f32 v2, v62  }
0x106: {  	s22 =	sand.u32 $0xC00, s21;
	s20 =	sand.u32 $0x70, s31;
	s19 =	simm.s32 $0xC080;
	v2 =	vmax.f32 v2, v63  }
0x107: {  	s20 =	sor.u32 s20, s22;
	s22 =	simm.s32 $0x20;
	[tilespmem:s19+$0x0] =	vst v2  }
.LBB2_14:
0x108: {  	p0 =	sne.s32 s22, $0x1F0;
	v2 =	vld [tilespmem:s20+$0xA100]  }
0x109: {  	v3 =	vld [tilespmem:s20+$0xA080]  }
0x10a: {  	v4 =	vld [tilespmem:s20+$0xA180]  }
0x10b: {  	v5 =	vld [tilespmem:s20+$0xA200]  }
0x10c: {  	v6 =	vld [tilespmem:s20+$0xA280]  }
0x10d: {  	v7 =	vld [tilespmem:s20+$0xA300]  }
0x10e: {  	v2 =	vmax.f32 v3, v2;
	v3 =	vld [tilespmem:s20+$0xA380]  }
0x10f: {  	v2 =	vmax.f32 v2, v4;
	v4 =	vld [tilespmem:s20+$0xA400]  }
0x110: {  	v2 =	vmax.f32 v2, v5;
	v5 =	vld [tilespmem:s20+$0xB080]  }
0x111: {  	v2 =	vmax.f32 v2, v6;
	v6 =	vld [tilespmem:s20+$0xB100]  }
0x112: {  	v2 =	vmax.f32 v2, v7;
	v7 =	vld [tilespmem:s20+$0xB180]  }
0x113: {  	v2 =	vmax.f32 v2, v3;
	v3 =	vld [tilespmem:s20+$0xB200]  }
0x114: {  	v2 =	vmax.f32 v2, v4;
	v4 =	vld [tilespmem:s20+$0xB280]  }
0x115: {  	v2 =	vmax.f32 v2, v5;
	v5 =	vld [tilespmem:s20+$0xB300]  }
0x116: {  	v2 =	vmax.f32 v2, v6;
	v6 =	vld [tilespmem:s20+$0xB380]  }
0x117: {  	v2 =	vmax.f32 v2, v7;
	v7 =	vld [tilespmem:s20+$0xB400]  }
0x118: {  	v2 =	vmax.f32 v2, v3  }
.Ltmp9:
0x119: {  	v2 =	vmax.f32 v2, v4;
	(pc) =	sbr.rel @p0 .LBB2_14-.Ltmp9, $4  }
0x11a: {  	v2 =	vmax.f32 v2, v5  }
0x11b: {  	s21 =	sadd.s32 $0x80, s21;
	v2 =	vmax.f32 v2, v6  }
0x11c: {  	s19 =	sadd.s32 $0x10, s19;
	s23 =	sand.u32 $0xC00, s21;
	s20 =	sand.u32 $0x70, s22;
	v2 =	vmax.f32 v2, v7  }
0x11d: {  	s22 =	sadd.s32 $0x10, s22;
	s20 =	sor.u32 s20, s23;
	[tilespmem:s19+$0x0] =	vst v2  }
0x11e: {  	v2 =	vld [tilespmem:s20+$0xA100]  }
0x11f: {  	v3 =	vld [tilespmem:s20+$0xA080]  }
0x120: {  	v4 =	vld [tilespmem:s20+$0xA180]  }
0x121: {  	v5 =	vld [tilespmem:s20+$0xA200]  }
0x122: {  	v6 =	vld [tilespmem:s20+$0xA280]  }
0x123: {  	v7 =	vld [tilespmem:s20+$0xA300]  }
0x124: {  	v2 =	vmax.f32 v3, v2;
	v3 =	vld [tilespmem:s20+$0xA380]  }
0x125: {  	v56 =	vld [tilespmem:s20+$0xA400];
	v2 =	vmax.f32 v2, v4  }
0x126: {  	v57 =	vld [tilespmem:s20+$0xB080];
	v2 =	vmax.f32 v2, v5  }
0x127: {  	v58 =	vld [tilespmem:s20+$0xB100];
	v2 =	vmax.f32 v2, v6  }
0x128: {  	v59 =	vld [tilespmem:s20+$0xB180];
	v2 =	vmax.f32 v2, v7  }
0x129: {  	v2 =	vmax.f32 v2, v3;
	v3 =	vld [tilespmem:s20+$0xB200]  }
0x12a: {  	v60 =	vld [tilespmem:s20+$0xB280];
	v2 =	vmax.f32 v2, v56  }
0x12b: {  	v61 =	vld [tilespmem:s20+$0xB300];
	v2 =	vmax.f32 v2, v57  }
0x12c: {  	v62 =	vld [tilespmem:s20+$0xB380];
	v2 =	vmax.f32 v2, v58  }
0x12d: {  	v63 =	vld [tilespmem:s20+$0xB400];
	v2 =	vmax.f32 v2, v59  }
0x12e: {  	v2 =	vmax.f32 v2, v3  }
0x12f: {  	v2 =	vmax.f32 v2, v60  }
0x130: {  	v2 =	vmax.f32 v2, v61  }
0x131: {  	s18 =	sadd.s32 $0x1, s18;
	v2 =	vmax.f32 v2, v62  }
0x132: {  	s19 =	sadd.s32 $0x10, s19;
	p0 =	sne.s32 s18, s8;
	v2 =	vmax.f32 v2, v63  }
.Ltmp10:
0x133: {  	[tilespmem:s19+$0x0] =	vst v2;
	(pc) =	sbr.rel @p0 .LBB2_1-.Ltmp10, $4  }
0x134: {  	[hbm4b:s7+s11] =	stream.strided.scatter [tilespmem:s17], [sflag:$0x1], $0x200, s12, s11, $0x38;
	[tilespmem:$0xE280] =	vst v63  }
0x135: {  	_ =	swait.ge [sflag:s10], $0x200  }
0x136: {  	[sflag:s10] =	ssyncset.done $0x0  }
0x137: {  	[sflag:s10] =	ssyncadd.s32 $0xFFFFFE00  }
0x138: {  	_ =	sfence.sel $0x180000  }
0x139: {  	[bflag:$0x0] =	sbarrier.arrive $0xFFFF  }
0x13a: {  	p0 =	sne.s32 s3, $0x0;
	_ =	strace $0x90000047  }
0x13b: {  	s0 =	sadd.s32 @!p0 $0x100000, s0;
	[bflag:$0x2] =	sbarrier.arrive $0xFFFF  }
0x13c: {  	[sflag:s0] =	ssyncadd.tile.s32 @!p0 $0x1;
	_ =	shalt  }
.Lfunc_end2:
_tile_overlayer_lowered:
.L_overlay_start_2:
0x13d: {  	(tag) =	ssettag $0x2  }
0x13e: {  	s0 =	rddreg [dreg:$0x0];
	s2 =	stileid.u32  }
0x13f: {  	s1 =	rddreg [dreg:$0x1];
	p0 =	sne.s32 s2, $0x0  }
0x140: {  	s3 =	rddreg [dreg:$0x2];
	[bflag:$0x3] =	sbarrier.arrive $0xFFFF;
	s2 =	simm.s32 @!p0 $0x1C01  }
0x141: {  	[timem:s3], [sflag:s2] =	dma.local @!p0 [hbm:s0], s1  }
0x142: {  	s0 =	simm.s32 @!p0 $0x1  }
0x143: {  	_ =	swait.ge @!p0 [sflag:s0], s1  }
0x144: {  	s1 =	ssub.s32 @!p0 $0x0, s1;
	[sflag:s0] =	ssyncset.done @!p0 $0x0  }
0x145: {  	[sflag:s0] =	ssyncadd.s32 @!p0 s1  }
0x146: {  	[bflag:$0x3] =	sbarrier.arrive $0xFFFF  }
0x147: {  	_ =	shalt  }

</sc_bundles>
